<compile_context>
chip_gen: v7x
topology: tpu7x:2x2x1
jax: 0.10.2.dev20260603
libtpu: 0.0.44.dev20260713+nightly
codegen_flags: <defaults>
</compile_context>

<pallas_src>
import functools

import jax
import jax.numpy as jnp
from jax import lax
from jax.experimental import pallas as pl
from jax.experimental.pallas import tpu as pltpu
from jax.experimental.pallas import tpu_sc as plsc

NC = 2
NS = 16

NW = NC * NS
C = 128
N_NODES = 10000
D = 128
NPAD = 10112
ROWS_PER_SUB = NPAD // NS
NBLK = ROWS_PER_SUB // 8
N_EDGES = 320000
CH_PER_W = -(-N_EDGES // (NW * C))
TOT_CHUNKS = CH_PER_W * NW
CH_A = 61
CH_B = 2 * CH_PER_W - CH_A
EPAD = TOT_CHUNKS * C

_MESH = plsc.VectorSubcoreMesh(core_axis_name="c", subcore_axis_name="s")


def _agg_body(x_hbm, src_hbm, dst_hbm, z8_hbm, *refs):
    out_agg, src_v, dst_v, rows_v, zero_v, stage_v, agg_sh, sem = refs

    cid = lax.axis_index("c")
    sid = lax.axis_index("s")
    wid = cid * NS + sid
    base = sid * ROWS_PER_SUB

    pltpu.sync_copy(z8_hbm, zero_v)

    @pl.loop(0, NBLK)
    def _(r):
        pltpu.sync_copy(zero_v, agg_sh.at[pl.ds(base + r * 8, 8)])

    plsc.subcore_barrier()

    n_my = jnp.where(cid == 0, CH_A, CH_B)
    start = jnp.where(cid == 0, sid * CH_A, NS * CH_A + sid * CH_B)

    @pl.loop(0, CH_B)
    def _(i):
        @pl.when(i < n_my)
        def _():
            chunk = start + i
            pltpu.sync_copy(src_hbm.at[chunk], src_v.at[0])
            pltpu.sync_copy(dst_hbm.at[chunk], dst_v.at[0])
            pltpu.async_copy(x_hbm.at[src_v.at[0]], rows_v, sem).wait()
            pltpu.sync_copy(rows_v, agg_sh.at[dst_v.at[0]], add=True)

    plsc.subcore_barrier()

    @pl.loop(0, NBLK)
    def _(r):
        pltpu.sync_copy(agg_sh.at[pl.ds(base + r * 8, 8)], stage_v)
        pltpu.sync_copy(stage_v, out_agg.at[wid * NBLK + r])


_agg = pl.kernel(
    _agg_body,
    out_type=jax.ShapeDtypeStruct((NW * NBLK, 8, D), jnp.float32),
    mesh=_MESH,
    scratch_types=[
        pltpu.VMEM((1, C), jnp.int32),
        pltpu.VMEM((1, C), jnp.int32),
        pltpu.VMEM((C, D), jnp.float32),
        pltpu.VMEM((8, D), jnp.float32),
        pltpu.VMEM((8, D), jnp.float32),
        pltpu.VMEM_SHARED((NPAD, D), jnp.float32),
        pltpu.SemaphoreType.DMA,
    ],
)


def _cnt_body(dst_hbm, ones_hbm, z8_hbm, *refs):
    out_cnt, dst_v, ones_v, zero_v, stage_v, cnt_sh = refs

    cid = lax.axis_index("c")
    sid = lax.axis_index("s")
    wid = cid * NS + sid
    base = sid * ROWS_PER_SUB

    pltpu.sync_copy(z8_hbm, zero_v)
    pltpu.sync_copy(ones_hbm, ones_v)

    @pl.loop(0, NBLK)
    def _(r):
        pltpu.sync_copy(zero_v, cnt_sh.at[pl.ds(base + r * 8, 8)])

    plsc.subcore_barrier()

    @pl.loop(0, CH_PER_W)
    def _(i):
        chunk = wid * CH_PER_W + i
        pltpu.sync_copy(dst_hbm.at[chunk], dst_v.at[0])
        pltpu.sync_copy(ones_v, cnt_sh.at[dst_v.at[0]], add=True)

    plsc.subcore_barrier()

    @pl.loop(0, NBLK)
    def _(r):
        pltpu.sync_copy(cnt_sh.at[pl.ds(base + r * 8, 8)], stage_v)
        pltpu.sync_copy(stage_v, out_cnt.at[wid * NBLK + r])


_cnt = pl.kernel(
    _cnt_body,
    out_type=jax.ShapeDtypeStruct((NW * NBLK, 8, D), jnp.float32),
    mesh=_MESH,
    scratch_types=[
        pltpu.VMEM((1, C), jnp.int32),
        pltpu.VMEM((C, D), jnp.float32),
        pltpu.VMEM((8, D), jnp.float32),
        pltpu.VMEM((8, D), jnp.float32),
        pltpu.VMEM_SHARED((NPAD, D), jnp.float32),
    ],
)


def _tc_body(relu, agg_ref, cnt_ref, x_ref, wl_ref, wr_ref, b_ref, o_ref):
    agg = agg_ref[0] + agg_ref[1]
    cnt = cnt_ref[0] + cnt_ref[1]
    mean = agg / jnp.maximum(cnt, 1.0)
    o = (jnp.dot(mean, wl_ref[...], preferred_element_type=jnp.float32,
                 precision=lax.Precision.HIGHEST)
         + b_ref[...]
         + jnp.dot(x_ref[...], wr_ref[...], preferred_element_type=jnp.float32,
                   precision=lax.Precision.HIGHEST))
    o_ref[...] = jnp.maximum(o, 0.0) if relu else o


def _tc_layer(aggp, cntp, x, W_l, b_l, W_r, relu):
    blk = 1000
    return pl.pallas_call(
        functools.partial(_tc_body, relu),
        grid=(N_NODES // blk,),
        in_specs=[
            pl.BlockSpec((NC, blk, D), lambda i: (0, i, 0)),
            pl.BlockSpec((NC, blk, 1), lambda i: (0, i, 0)),
            pl.BlockSpec((blk, D), lambda i: (i, 0)),
            pl.BlockSpec((D, D), lambda i: (0, 0)),
            pl.BlockSpec((D, D), lambda i: (0, 0)),
            pl.BlockSpec((1, D), lambda i: (0, 0)),
        ],
        out_specs=pl.BlockSpec((blk, D), lambda i: (i, 0)),
        out_shape=jax.ShapeDtypeStruct((N_NODES, D), jnp.float32),
    )(aggp, cntp, x, W_l.T, W_r.T, b_l.reshape(1, D))


@jax.jit
def kernel(x, edge_index, W_l1, b_l1, W_r1, W_l2, b_l2, W_r2):
    src = edge_index[0].astype(jnp.int32)
    dst = edge_index[1].astype(jnp.int32)
    pad = EPAD - N_EDGES
    src = jnp.concatenate([src, jnp.zeros((pad,), jnp.int32)])
    dst = jnp.concatenate([dst, jnp.full((pad,), N_NODES, jnp.int32)])
    src = src.reshape(TOT_CHUNKS, C)
    dst = dst.reshape(TOT_CHUNKS, C)

    z8 = jnp.zeros((8, D), jnp.float32)
    ones = jnp.ones((C, D), jnp.float32)

    cntp = _cnt(dst, ones, z8).reshape(NC, NPAD, D)[:, :, 0:1]
    agg1 = _agg(x, src, dst, z8).reshape(NC, NPAD, D)
    h = _tc_layer(agg1, cntp, x, W_l1, b_l1, W_r1, relu=True)
    agg2 = _agg(h, src, dst, z8).reshape(NC, NPAD, D)
    return _tc_layer(agg2, cntp, h, W_l2, b_l2, W_r2, relu=False)

# --- scband reference (transcript-rebuilt; emitter-appended) ---
"""Pipeline reference for scband-sage-3350074490962 (READ-ONLY COPY).

The authoritative reference and input builder live on the scoring server;
editing this copy changes nothing except your own understanding.
"""

import jax, jax.numpy as jnp
import numpy as np

N_NODES = 10000
N_EDGES = 320000
D_IN = 128
D_HID = 128

def setup_inputs(seed: int = 0) -> dict:
    key = jax.random.key(seed)
    ks = jax.random.split(key, 8)
    x = jax.random.normal(ks[0], (N_NODES, D_IN), dtype=jnp.float32)
    edge_index = jax.random.randint(ks[1], (2, N_EDGES), 0, N_NODES, dtype=jnp.int64)
    s1 = 1.0 / np.sqrt(D_IN)
    s2 = 1.0 / np.sqrt(D_HID)
    W_l1 = jax.random.uniform(ks[2], (D_HID, D_IN), jnp.float32, -s1, s1)
    b_l1 = jnp.zeros((D_HID,), jnp.float32)
    W_r1 = jax.random.uniform(ks[3], (D_HID, D_IN), jnp.float32, -s1, s1)
    W_l2 = jax.random.uniform(ks[4], (D_HID, D_HID), jnp.float32, -s2, s2)
    b_l2 = jnp.zeros((D_HID,), jnp.float32)
    W_r2 = jax.random.uniform(ks[5], (D_HID, D_HID), jnp.float32, -s2, s2)
    return {"x": x, "edge_index": edge_index, "W_l1": W_l1, "b_l1": b_l1, "W_r1": W_r1, "W_l2": W_l2, "b_l2": b_l2, "W_r2": W_r2}

def _sage_conv(x, src, dst, W_l, b_l, W_r, num_nodes):
    # PyG SAGEConv with mean aggregation:
    # out = lin_l(mean_{j in N(i)} x_j) + lin_r(x_i)
    msgs = jnp.take(x, src, axis=0)
    agg = jax.ops.segment_sum(msgs, dst, num_segments=num_nodes)
    cnt = jax.ops.segment_sum(jnp.ones((src.shape[0],), x.dtype), dst, num_segments=num_nodes)
    mean = agg / jnp.clip(cnt, 1.0, None)[:, None]
    return mean @ W_l.T + b_l + x @ W_r.T

def reference(x, edge_index, W_l1, b_l1, W_r1, W_l2, b_l2, W_r2):
    src = edge_index[0]
    dst = edge_index[1]
    n = x.shape[0]
    # layer 1 (dropout skipped: eval mode)
    h = _sage_conv(x, src, dst, W_l1, b_l1, W_r1, n)
    h = jax.nn.relu(h)
    # layer 2 (no activation after last layer)
    out = _sage_conv(h, src, dst, W_l2, b_l2, W_r2, n)
    return out

if __name__ == "__main__":
    import jax
    _d = setup_inputs()
    print(jax.jit(kernel)(*tuple(_d.values())))

</pallas_src>

<mosaic_0001>
#map = affine_map<(d0, d1) -> (0, 0)>
#map1 = affine_map<(d0, d1) -> (0, 0, 0)>
module attributes {stable_mosaic.version = 14 : i64} {
  func.func @_agg_body(%arg0: i32, %arg1: i32, %arg2: memref<10000x128xf32, #tpu.memory_space<hbm>>, %arg3: memref<2528x128xi32, #tpu.memory_space<hbm>>, %arg4: memref<2528x128xi32, #tpu.memory_space<hbm>>, %arg5: memref<8x128xf32, #tpu.memory_space<hbm>>, %arg6: memref<2528x8x128xf32, #tpu.memory_space<hbm>>, %arg7: memref<1x128xi32, #tpu.memory_space<vmem>>, %arg8: memref<1x128xi32, #tpu.memory_space<vmem>>, %arg9: memref<128x128xf32, #tpu.memory_space<vmem>>, %arg10: memref<8x128xf32, #tpu.memory_space<vmem>>, %arg11: memref<8x128xf32, #tpu.memory_space<vmem>>, %arg12: memref<10112x128xf32, #tpu.memory_space<vmem_shared>>, %arg13: memref<!tpu.dma_semaphore, #tpu.memory_space<semaphore_mem>>) attributes {dimension_semantics = [#tpu.dimension_semantics<core_parallel>, #tpu.dimension_semantics<subcore_parallel>], iteration_bounds = array<i64: 2, 16>, scalar_prefetch = 0 : i64, scratch_operands = 7 : i64, tpu.core_type = #tpu.core_type<sc_vector_subcore>, window_params = [{transform_indices = #map}, {transform_indices = #map}, {transform_indices = #map}, {transform_indices = #map}, {transform_indices = #map1}]} {
    %mul3A = arith.constant 16 : i32
    %mul3A_0 = arith.muli %arg0, %mul3A : i32
    %add3A = arith.addi %mul3A_0, %arg1 : i32
    %mul3A_1 = arith.constant 632 : i32
    %mul3A_2 = arith.muli %arg1, %mul3A_1 : i32
    "tpu.region"() ({
      %run_scoped3A = tpu.sem_alloc : memref<!tpu.dma_semaphore, #tpu.memory_space<semaphore_mem>>
      tpu.enqueue_dma source(%arg5 : memref<8x128xf32, #tpu.memory_space<hbm>>) target(%arg10 : memref<8x128xf32, #tpu.memory_space<vmem>>) target_semaphore(%run_scoped3A : memref<!tpu.dma_semaphore, #tpu.memory_space<semaphore_mem>>)
      tpu.wait_dma2 semaphore(%run_scoped3A : memref<!tpu.dma_semaphore, #tpu.memory_space<semaphore_mem>>) src(%arg5 : memref<8x128xf32, #tpu.memory_space<hbm>>) dst(%arg10 : memref<8x128xf32, #tpu.memory_space<vmem>>)
      tpu.yield
    }) : () -> ()
    %scan3A = arith.constant 0 : i32
    %scan3A_3 = arith.constant 79 : i32
    %scan3A_4 = arith.addi %scan3A, %scan3A_3 : i32
    %scan3A_5 = arith.constant 1 : i32
    scf.for %scan3A_29 = %scan3A to %scan3A_4 step %scan3A_5  : i32 {
      %mul3A_30 = arith.constant 1 : i32
      %mul3A_31 = arith.muli %scan3A_29, %mul3A_30 : i32
      %add3A_32 = arith.constant 0 : i32
      %add3A_33 = arith.addi %add3A_32, %mul3A_31 : i32
      %mul3A_34 = arith.constant 8 : i32
      %mul3A_35 = arith.muli %add3A_33, %mul3A_34 : i32
      %add3A_36 = arith.addi %mul3A_2, %mul3A_35 : i32
      "tpu.region"() ({
        %run_scoped3A = tpu.sem_alloc : memref<!tpu.dma_semaphore, #tpu.memory_space<semaphore_mem>>
        %dma_start3A = arith.constant 0 : i32
        %dma_start3A_37 = tpu.memref_slice %arg12[%add3A_36, %dma_start3A] : memref<10112x128xf32, #tpu.memory_space<vmem_shared>> -> memref<8x128xf32, #tpu.memory_space<vmem_shared>>
        %dma_start3A_38 = arith.constant 0 : i32
        %dma_start3A_39 = tpu.memref_slice %arg12[%add3A_36, %dma_start3A_38] : memref<10112x128xf32, #tpu.memory_space<vmem_shared>> -> memref<8x128xf32, #tpu.memory_space<vmem_shared>>
        tpu.enqueue_dma source(%arg10 : memref<8x128xf32, #tpu.memory_space<vmem>>) target(%dma_start3A_39 : memref<8x128xf32, #tpu.memory_space<vmem_shared>>) target_semaphore(%run_scoped3A : memref<!tpu.dma_semaphore, #tpu.memory_space<semaphore_mem>>)
        %dma_wait3A = arith.constant 0 : i32
        %dma_wait3A_40 = tpu.memref_slice %arg12[%add3A_36, %dma_wait3A] : memref<10112x128xf32, #tpu.memory_space<vmem_shared>> -> memref<8x128xf32, #tpu.memory_space<vmem_shared>>
        %dma_wait3A_41 = arith.constant 0 : i32
        %dma_wait3A_42 = tpu.memref_slice %arg12[%add3A_36, %dma_wait3A_41] : memref<10112x128xf32, #tpu.memory_space<vmem_shared>> -> memref<8x128xf32, #tpu.memory_space<vmem_shared>>
        tpu.wait_dma2 semaphore(%run_scoped3A : memref<!tpu.dma_semaphore, #tpu.memory_space<semaphore_mem>>) src(%arg10 : memref<8x128xf32, #tpu.memory_space<vmem>>) dst(%dma_wait3A_42 : memref<8x128xf32, #tpu.memory_space<vmem_shared>>)
        tpu.yield
      }) : () -> ()
    }
    %scan3A_6 = arith.constant 79 : i32
    %barrier3A = arith.constant 0 : index
    tpu.barrier barrier_id(%barrier3A)
    %eq3A = arith.constant 0 : i32
    %eq3A_7 = arith.cmpi eq, %arg0, %eq3A : i32
    %jit3A = arith.constant 61 : i32
    %jit3A_8 = arith.constant 97 : i32
    %select_n3A = arith.select %eq3A_7, %jit3A, %jit3A_8 : i32
    %eq3A_9 = arith.constant 0 : i32
    %eq3A_10 = arith.cmpi eq, %arg0, %eq3A_9 : i32
    %mul3A_11 = arith.constant 61 : i32
    %mul3A_12 = arith.muli %arg1, %mul3A_11 : i32
    %mul3A_13 = arith.constant 97 : i32
    %mul3A_14 = arith.muli %arg1, %mul3A_13 : i32
    %add3A_15 = arith.constant 976 : i32
    %add3A_16 = arith.addi %add3A_15, %mul3A_14 : i32
    %select_n3A_17 = arith.select %eq3A_10, %mul3A_12, %add3A_16 : i32
    %scan3A_18 = arith.constant 0 : i32
    %scan3A_19 = arith.constant 97 : i32
    %scan3A_20 = arith.addi %scan3A_18, %scan3A_19 : i32
    %scan3A_21 = arith.constant 1 : i32
    scf.for %scan3A_29 = %scan3A_18 to %scan3A_20 step %scan3A_21  : i32 {
      %mul3A_30 = arith.constant 1 : i32
      %mul3A_31 = arith.muli %scan3A_29, %mul3A_30 : i32
      %add3A_32 = arith.constant 0 : i32
      %add3A_33 = arith.addi %add3A_32, %mul3A_31 : i32
      %lt3A = arith.cmpi slt, %add3A_33, %select_n3A : i32
      %convert_element_type3A = arith.extui %lt3A : i1 to i32
      %cond3A = arith.constant 0 : i32
      %cond3A_34 = arith.cmpi ne, %convert_element_type3A, %cond3A : i32
      scf.if %cond3A_34 {
        %add3A_35 = arith.addi %select_n3A_17, %add3A_33 : i32
        %run_scoped3A = arith.constant 0 : i32
        "tpu.region"() ({
          %run_scoped3A_50 = tpu.sem_alloc : memref<!tpu.dma_semaphore, #tpu.memory_space<semaphore_mem>>
          %dma_start3A_51 = arith.constant 0 : i32
          %dma_start3A_52 = tpu.memref_slice %arg7[%run_scoped3A, %dma_start3A_51] : memref<1x128xi32, #tpu.memory_space<vmem>> -> memref<1x128xi32, #tpu.memory_space<vmem>>
          %dma_start3A_53 = tpu.memref_squeeze %dma_start3A_52 : memref<1x128xi32, #tpu.memory_space<vmem>> -> memref<128xi32, #tpu.memory_space<vmem>>
          %dma_start3A_54 = arith.constant 0 : i32
          %dma_start3A_55 = tpu.memref_slice %arg3[%add3A_35, %dma_start3A_54] : memref<2528x128xi32, #tpu.memory_space<hbm>> -> memref<1x128xi32, #tpu.memory_space<hbm>>
          %dma_start3A_56 = tpu.memref_squeeze %dma_start3A_55 : memref<1x128xi32, #tpu.memory_space<hbm>> -> memref<128xi32, #tpu.memory_space<hbm>>
          %dma_start3A_57 = arith.constant 0 : i32
          %dma_start3A_58 = tpu.memref_slice %arg7[%run_scoped3A, %dma_start3A_57] : memref<1x128xi32, #tpu.memory_space<vmem>> -> memref<1x128xi32, #tpu.memory_space<vmem>>
          %dma_start3A_59 = tpu.memref_squeeze %dma_start3A_58 : memref<1x128xi32, #tpu.memory_space<vmem>> -> memref<128xi32, #tpu.memory_space<vmem>>
          %dma_start3A_60 = arith.constant 0 : i32
          %dma_start3A_61 = tpu.memref_slice %arg3[%add3A_35, %dma_start3A_60] : memref<2528x128xi32, #tpu.memory_space<hbm>> -> memref<1x128xi32, #tpu.memory_space<hbm>>
          %dma_start3A_62 = tpu.memref_squeeze %dma_start3A_61 : memref<1x128xi32, #tpu.memory_space<hbm>> -> memref<128xi32, #tpu.memory_space<hbm>>
          tpu.enqueue_dma source(%dma_start3A_62 : memref<128xi32, #tpu.memory_space<hbm>>) target(%dma_start3A_59 : memref<128xi32, #tpu.memory_space<vmem>>) target_semaphore(%run_scoped3A_50 : memref<!tpu.dma_semaphore, #tpu.memory_space<semaphore_mem>>)
          %dma_wait3A_63 = arith.constant 0 : i32
          %dma_wait3A_64 = tpu.memref_slice %arg7[%run_scoped3A, %dma_wait3A_63] : memref<1x128xi32, #tpu.memory_space<vmem>> -> memref<1x128xi32, #tpu.memory_space<vmem>>
          %dma_wait3A_65 = tpu.memref_squeeze %dma_wait3A_64 : memref<1x128xi32, #tpu.memory_space<vmem>> -> memref<128xi32, #tpu.memory_space<vmem>>
          %dma_wait3A_66 = arith.constant 0 : i32
          %dma_wait3A_67 = tpu.memref_slice %arg3[%add3A_35, %dma_wait3A_66] : memref<2528x128xi32, #tpu.memory_space<hbm>> -> memref<1x128xi32, #tpu.memory_space<hbm>>
          %dma_wait3A_68 = tpu.memref_squeeze %dma_wait3A_67 : memref<1x128xi32, #tpu.memory_space<hbm>> -> memref<128xi32, #tpu.memory_space<hbm>>
          %dma_wait3A_69 = arith.constant 0 : i32
          %dma_wait3A_70 = tpu.memref_slice %arg7[%run_scoped3A, %dma_wait3A_69] : memref<1x128xi32, #tpu.memory_space<vmem>> -> memref<1x128xi32, #tpu.memory_space<vmem>>
          %dma_wait3A_71 = tpu.memref_squeeze %dma_wait3A_70 : memref<1x128xi32, #tpu.memory_space<vmem>> -> memref<128xi32, #tpu.memory_space<vmem>>
          %dma_wait3A_72 = arith.constant 0 : i32
          %dma_wait3A_73 = tpu.memref_slice %arg3[%add3A_35, %dma_wait3A_72] : memref<2528x128xi32, #tpu.memory_space<hbm>> -> memref<1x128xi32, #tpu.memory_space<hbm>>
          %dma_wait3A_74 = tpu.memref_squeeze %dma_wait3A_73 : memref<1x128xi32, #tpu.memory_space<hbm>> -> memref<128xi32, #tpu.memory_space<hbm>>
          tpu.wait_dma2 semaphore(%run_scoped3A_50 : memref<!tpu.dma_semaphore, #tpu.memory_space<semaphore_mem>>) src(%dma_wait3A_74 : memref<128xi32, #tpu.memory_space<hbm>>) dst(%dma_wait3A_71 : memref<128xi32, #tpu.memory_space<vmem>>)
          tpu.yield
        }) : () -> ()
        %run_scoped3A_36 = arith.constant 0 : i32
        "tpu.region"() ({
          %run_scoped3A_50 = tpu.sem_alloc : memref<!tpu.dma_semaphore, #tpu.memory_space<semaphore_mem>>
          %dma_start3A_51 = arith.constant 0 : i32
          %dma_start3A_52 = tpu.memref_slice %arg8[%run_scoped3A_36, %dma_start3A_51] : memref<1x128xi32, #tpu.memory_space<vmem>> -> memref<1x128xi32, #tpu.memory_space<vmem>>
          %dma_start3A_53 = tpu.memref_squeeze %dma_start3A_52 : memref<1x128xi32, #tpu.memory_space<vmem>> -> memref<128xi32, #tpu.memory_space<vmem>>
          %dma_start3A_54 = arith.constant 0 : i32
          %dma_start3A_55 = tpu.memref_slice %arg4[%add3A_35, %dma_start3A_54] : memref<2528x128xi32, #tpu.memory_space<hbm>> -> memref<1x128xi32, #tpu.memory_space<hbm>>
          %dma_start3A_56 = tpu.memref_squeeze %dma_start3A_55 : memref<1x128xi32, #tpu.memory_space<hbm>> -> memref<128xi32, #tpu.memory_space<hbm>>
          %dma_start3A_57 = arith.constant 0 : i32
          %dma_start3A_58 = tpu.memref_slice %arg8[%run_scoped3A_36, %dma_start3A_57] : memref<1x128xi32, #tpu.memory_space<vmem>> -> memref<1x128xi32, #tpu.memory_space<vmem>>
          %dma_start3A_59 = tpu.memref_squeeze %dma_start3A_58 : memref<1x128xi32, #tpu.memory_space<vmem>> -> memref<128xi32, #tpu.memory_space<vmem>>
          %dma_start3A_60 = arith.constant 0 : i32
          %dma_start3A_61 = tpu.memref_slice %arg4[%add3A_35, %dma_start3A_60] : memref<2528x128xi32, #tpu.memory_space<hbm>> -> memref<1x128xi32, #tpu.memory_space<hbm>>
          %dma_start3A_62 = tpu.memref_squeeze %dma_start3A_61 : memref<1x128xi32, #tpu.memory_space<hbm>> -> memref<128xi32, #tpu.memory_space<hbm>>
          tpu.enqueue_dma source(%dma_start3A_62 : memref<128xi32, #tpu.memory_space<hbm>>) target(%dma_start3A_59 : memref<128xi32, #tpu.memory_space<vmem>>) target_semaphore(%run_scoped3A_50 : memref<!tpu.dma_semaphore, #tpu.memory_space<semaphore_mem>>)
          %dma_wait3A_63 = arith.constant 0 : i32
          %dma_wait3A_64 = tpu.memref_slice %arg8[%run_scoped3A_36, %dma_wait3A_63] : memref<1x128xi32, #tpu.memory_space<vmem>> -> memref<1x128xi32, #tpu.memory_space<vmem>>
          %dma_wait3A_65 = tpu.memref_squeeze %dma_wait3A_64 : memref<1x128xi32, #tpu.memory_space<vmem>> -> memref<128xi32, #tpu.memory_space<vmem>>
          %dma_wait3A_66 = arith.constant 0 : i32
          %dma_wait3A_67 = tpu.memref_slice %arg4[%add3A_35, %dma_wait3A_66] : memref<2528x128xi32, #tpu.memory_space<hbm>> -> memref<1x128xi32, #tpu.memory_space<hbm>>
          %dma_wait3A_68 = tpu.memref_squeeze %dma_wait3A_67 : memref<1x128xi32, #tpu.memory_space<hbm>> -> memref<128xi32, #tpu.memory_space<hbm>>
          %dma_wait3A_69 = arith.constant 0 : i32
          %dma_wait3A_70 = tpu.memref_slice %arg8[%run_scoped3A_36, %dma_wait3A_69] : memref<1x128xi32, #tpu.memory_space<vmem>> -> memref<1x128xi32, #tpu.memory_space<vmem>>
          %dma_wait3A_71 = tpu.memref_squeeze %dma_wait3A_70 : memref<1x128xi32, #tpu.memory_space<vmem>> -> memref<128xi32, #tpu.memory_space<vmem>>
          %dma_wait3A_72 = arith.constant 0 : i32
          %dma_wait3A_73 = tpu.memref_slice %arg4[%add3A_35, %dma_wait3A_72] : memref<2528x128xi32, #tpu.memory_space<hbm>> -> memref<1x128xi32, #tpu.memory_space<hbm>>
          %dma_wait3A_74 = tpu.memref_squeeze %dma_wait3A_73 : memref<1x128xi32, #tpu.memory_space<hbm>> -> memref<128xi32, #tpu.memory_space<hbm>>
          tpu.wait_dma2 semaphore(%run_scoped3A_50 : memref<!tpu.dma_semaphore, #tpu.memory_space<semaphore_mem>>) src(%dma_wait3A_74 : memref<128xi32, #tpu.memory_space<hbm>>) dst(%dma_wait3A_71 : memref<128xi32, #tpu.memory_space<vmem>>)
          tpu.yield
        }) : () -> ()
        %dma_start3A = arith.constant 0 : i32
        %dma_start3A_37 = arith.constant 0 : i32
        %dma_start3A_38 = tpu.memref_slice %arg7[%dma_start3A, %dma_start3A_37] : memref<1x128xi32, #tpu.memory_space<vmem>> -> memref<1x128xi32, #tpu.memory_space<vmem>>
        %dma_start3A_39 = tpu.memref_squeeze %dma_start3A_38 : memref<1x128xi32, #tpu.memory_space<vmem>> -> memref<128xi32, #tpu.memory_space<vmem>>
        %dma_start3A_40 = arith.constant 0 : i32
        %dma_start3A_41 = arith.constant 0 : i32
        %dma_start3A_42 = tpu.memref_slice %arg2[%dma_start3A_40, %dma_start3A_41] : memref<10000x128xf32, #tpu.memory_space<hbm>> -> memref<10000x128xf32, #tpu.memory_space<hbm>>
        tpu.enqueue_indirect_dma source(%dma_start3A_42 : memref<10000x128xf32, #tpu.memory_space<hbm>>) target(%arg9 : memref<128x128xf32, #tpu.memory_space<vmem>>) offsets(%dma_start3A_39 : memref<128xi32, #tpu.memory_space<vmem>>) semaphore(%arg13 : memref<!tpu.dma_semaphore, #tpu.memory_space<semaphore_mem>>)
        %dma_wait3A = arith.constant 0 : i32
        %dma_wait3A_43 = arith.constant 0 : i32
        %dma_wait3A_44 = tpu.memref_slice %arg7[%dma_wait3A, %dma_wait3A_43] : memref<1x128xi32, #tpu.memory_space<vmem>> -> memref<1x128xi32, #tpu.memory_space<vmem>>
        %dma_wait3A_45 = tpu.memref_squeeze %dma_wait3A_44 : memref<1x128xi32, #tpu.memory_space<vmem>> -> memref<128xi32, #tpu.memory_space<vmem>>
        %dma_wait3A_46 = arith.constant 0 : i32
        %dma_wait3A_47 = arith.constant 0 : i32
        %dma_wait3A_48 = tpu.memref_slice %arg2[%dma_wait3A_46, %dma_wait3A_47] : memref<10000x128xf32, #tpu.memory_space<hbm>> -> memref<10000x128xf32, #tpu.memory_space<hbm>>
        tpu.wait_indirect_dma semaphore(%arg13 : memref<!tpu.dma_semaphore, #tpu.memory_space<semaphore_mem>>) src(%dma_wait3A_48 : memref<10000x128xf32, #tpu.memory_space<hbm>>) dst(%arg9 : memref<128x128xf32, #tpu.memory_space<vmem>>)
        %run_scoped3A_49 = arith.constant 0 : i32
        "tpu.region"() ({
          %run_scoped3A_50 = tpu.sem_alloc : memref<!tpu.dma_semaphore, #tpu.memory_space<semaphore_mem>>
          %dma_start3A_51 = arith.constant 0 : i32
          %dma_start3A_52 = tpu.memref_slice %arg8[%run_scoped3A_49, %dma_start3A_51] : memref<1x128xi32, #tpu.memory_space<vmem>> -> memref<1x128xi32, #tpu.memory_space<vmem>>
          %dma_start3A_53 = tpu.memref_squeeze %dma_start3A_52 : memref<1x128xi32, #tpu.memory_space<vmem>> -> memref<128xi32, #tpu.memory_space<vmem>>
          %dma_start3A_54 = arith.constant 0 : i32
          %dma_start3A_55 = arith.constant 0 : i32
          %dma_start3A_56 = tpu.memref_slice %arg12[%dma_start3A_54, %dma_start3A_55] : memref<10112x128xf32, #tpu.memory_space<vmem_shared>> -> memref<10112x128xf32, #tpu.memory_space<vmem_shared>>
          tpu.enqueue_indirect_dma source(%arg9 : memref<128x128xf32, #tpu.memory_space<vmem>>) target(%dma_start3A_56 : memref<10112x128xf32, #tpu.memory_space<vmem_shared>>) offsets(%dma_start3A_53 : memref<128xi32, #tpu.memory_space<vmem>>) semaphore(%run_scoped3A_50 : memref<!tpu.dma_semaphore, #tpu.memory_space<semaphore_mem>>) {add = true}
          %dma_wait3A_57 = arith.constant 0 : i32
          %dma_wait3A_58 = tpu.memref_slice %arg8[%run_scoped3A_49, %dma_wait3A_57] : memref<1x128xi32, #tpu.memory_space<vmem>> -> memref<1x128xi32, #tpu.memory_space<vmem>>
          %dma_wait3A_59 = tpu.memref_squeeze %dma_wait3A_58 : memref<1x128xi32, #tpu.memory_space<vmem>> -> memref<128xi32, #tpu.memory_space<vmem>>
          %dma_wait3A_60 = arith.constant 0 : i32
          %dma_wait3A_61 = arith.constant 0 : i32
          %dma_wait3A_62 = tpu.memref_slice %arg12[%dma_wait3A_60, %dma_wait3A_61] : memref<10112x128xf32, #tpu.memory_space<vmem_shared>> -> memref<10112x128xf32, #tpu.memory_space<vmem_shared>>
          tpu.wait_indirect_dma semaphore(%run_scoped3A_50 : memref<!tpu.dma_semaphore, #tpu.memory_space<semaphore_mem>>) src(%arg9 : memref<128x128xf32, #tpu.memory_space<vmem>>) dst(%dma_wait3A_62 : memref<10112x128xf32, #tpu.memory_space<vmem_shared>>)
          tpu.yield
        }) : () -> ()
      } else {
      }
    }
    %scan3A_22 = arith.constant 97 : i32
    %barrier3A_23 = arith.constant 0 : index
    tpu.barrier barrier_id(%barrier3A_23)
    %scan3A_24 = arith.constant 0 : i32
    %scan3A_25 = arith.constant 79 : i32
    %scan3A_26 = arith.addi %scan3A_24, %scan3A_25 : i32
    %scan3A_27 = arith.constant 1 : i32
    scf.for %scan3A_29 = %scan3A_24 to %scan3A_26 step %scan3A_27  : i32 {
      %mul3A_30 = arith.constant 1 : i32
      %mul3A_31 = arith.muli %scan3A_29, %mul3A_30 : i32
      %add3A_32 = arith.constant 0 : i32
      %add3A_33 = arith.addi %add3A_32, %mul3A_31 : i32
      %mul3A_34 = arith.constant 8 : i32
      %mul3A_35 = arith.muli %add3A_33, %mul3A_34 : i32
      %add3A_36 = arith.addi %mul3A_2, %mul3A_35 : i32
      "tpu.region"() ({
        %run_scoped3A = tpu.sem_alloc : memref<!tpu.dma_semaphore, #tpu.memory_space<semaphore_mem>>
        %dma_start3A = arith.constant 0 : i32
        %dma_start3A_40 = tpu.memref_slice %arg12[%add3A_36, %dma_start3A] : memref<10112x128xf32, #tpu.memory_space<vmem_shared>> -> memref<8x128xf32, #tpu.memory_space<vmem_shared>>
        %dma_start3A_41 = arith.constant 0 : i32
        %dma_start3A_42 = tpu.memref_slice %arg12[%add3A_36, %dma_start3A_41] : memref<10112x128xf32, #tpu.memory_space<vmem_shared>> -> memref<8x128xf32, #tpu.memory_space<vmem_shared>>
        tpu.enqueue_dma source(%dma_start3A_42 : memref<8x128xf32, #tpu.memory_space<vmem_shared>>) target(%arg11 : memref<8x128xf32, #tpu.memory_space<vmem>>) target_semaphore(%run_scoped3A : memref<!tpu.dma_semaphore, #tpu.memory_space<semaphore_mem>>)
        %dma_wait3A = arith.constant 0 : i32
        %dma_wait3A_43 = tpu.memref_slice %arg12[%add3A_36, %dma_wait3A] : memref<10112x128xf32, #tpu.memory_space<vmem_shared>> -> memref<8x128xf32, #tpu.memory_space<vmem_shared>>
        %dma_wait3A_44 = arith.constant 0 : i32
        %dma_wait3A_45 = tpu.memref_slice %arg12[%add3A_36, %dma_wait3A_44] : memref<10112x128xf32, #tpu.memory_space<vmem_shared>> -> memref<8x128xf32, #tpu.memory_space<vmem_shared>>
        tpu.wait_dma2 semaphore(%run_scoped3A : memref<!tpu.dma_semaphore, #tpu.memory_space<semaphore_mem>>) src(%dma_wait3A_45 : memref<8x128xf32, #tpu.memory_space<vmem_shared>>) dst(%arg11 : memref<8x128xf32, #tpu.memory_space<vmem>>)
        tpu.yield
      }) : () -> ()
      %mul3A_37 = arith.constant 79 : i32
      %mul3A_38 = arith.muli %add3A, %mul3A_37 : i32
      %add3A_39 = arith.addi %mul3A_38, %add3A_33 : i32
      "tpu.region"() ({
        %run_scoped3A = tpu.sem_alloc : memref<!tpu.dma_semaphore, #tpu.memory_space<semaphore_mem>>
        %dma_start3A = arith.constant 0 : i32
        %dma_start3A_40 = arith.constant 0 : i32
        %dma_start3A_41 = tpu.memref_slice %arg6[%add3A_39, %dma_start3A, %dma_start3A_40] : memref<2528x8x128xf32, #tpu.memory_space<hbm>> -> memref<1x8x128xf32, #tpu.memory_space<hbm>>
        %dma_start3A_42 = tpu.memref_squeeze %dma_start3A_41 : memref<1x8x128xf32, #tpu.memory_space<hbm>> -> memref<8x128xf32, #tpu.memory_space<hbm>>
        %dma_start3A_43 = arith.constant 0 : i32
        %dma_start3A_44 = arith.constant 0 : i32
        %dma_start3A_45 = tpu.memref_slice %arg6[%add3A_39, %dma_start3A_43, %dma_start3A_44] : memref<2528x8x128xf32, #tpu.memory_space<hbm>> -> memref<1x8x128xf32, #tpu.memory_space<hbm>>
        %dma_start3A_46 = tpu.memref_squeeze %dma_start3A_45 : memref<1x8x128xf32, #tpu.memory_space<hbm>> -> memref<8x128xf32, #tpu.memory_space<hbm>>
        tpu.enqueue_dma source(%arg11 : memref<8x128xf32, #tpu.memory_space<vmem>>) target(%dma_start3A_46 : memref<8x128xf32, #tpu.memory_space<hbm>>) target_semaphore(%run_scoped3A : memref<!tpu.dma_semaphore, #tpu.memory_space<semaphore_mem>>)
        %dma_wait3A = arith.constant 0 : i32
        %dma_wait3A_47 = arith.constant 0 : i32
        %dma_wait3A_48 = tpu.memref_slice %arg6[%add3A_39, %dma_wait3A, %dma_wait3A_47] : memref<2528x8x128xf32, #tpu.memory_space<hbm>> -> memref<1x8x128xf32, #tpu.memory_space<hbm>>
        %dma_wait3A_49 = tpu.memref_squeeze %dma_wait3A_48 : memref<1x8x128xf32, #tpu.memory_space<hbm>> -> memref<8x128xf32, #tpu.memory_space<hbm>>
        %dma_wait3A_50 = arith.constant 0 : i32
        %dma_wait3A_51 = arith.constant 0 : i32
        %dma_wait3A_52 = tpu.memref_slice %arg6[%add3A_39, %dma_wait3A_50, %dma_wait3A_51] : memref<2528x8x128xf32, #tpu.memory_space<hbm>> -> memref<1x8x128xf32, #tpu.memory_space<hbm>>
        %dma_wait3A_53 = tpu.memref_squeeze %dma_wait3A_52 : memref<1x8x128xf32, #tpu.memory_space<hbm>> -> memref<8x128xf32, #tpu.memory_space<hbm>>
        tpu.wait_dma2 semaphore(%run_scoped3A : memref<!tpu.dma_semaphore, #tpu.memory_space<semaphore_mem>>) src(%arg11 : memref<8x128xf32, #tpu.memory_space<vmem>>) dst(%dma_wait3A_53 : memref<8x128xf32, #tpu.memory_space<hbm>>)
        tpu.yield
      }) : () -> ()
    }
    %scan3A_28 = arith.constant 79 : i32
    return
  }
}

#map = affine_map<(d0, d1) -> (0, 0)>
#map1 = affine_map<(d0, d1) -> (0, 0, 0)>
module attributes {stable_mosaic.version = 14 : i64} {
  func.func @_agg_body(%arg0: i32, %arg1: i32, %arg2: memref<10000x128xf32, #tpu.memory_space<hbm>>, %arg3: memref<2528x128xi32, #tpu.memory_space<hbm>>, %arg4: memref<2528x128xi32, #tpu.memory_space<hbm>>, %arg5: memref<8x128xf32, #tpu.memory_space<hbm>>, %arg6: memref<2528x8x128xf32, #tpu.memory_space<hbm>>, %arg7: memref<1x128xi32, #tpu.memory_space<vmem>>, %arg8: memref<1x128xi32, #tpu.memory_space<vmem>>, %arg9: memref<128x128xf32, #tpu.memory_space<vmem>>, %arg10: memref<8x128xf32, #tpu.memory_space<vmem>>, %arg11: memref<8x128xf32, #tpu.memory_space<vmem>>, %arg12: memref<10112x128xf32, #tpu.memory_space<vmem_shared>>, %arg13: memref<!tpu.dma_semaphore, #tpu.memory_space<semaphore_mem>>) attributes {dimension_semantics = [#tpu.dimension_semantics<core_parallel>, #tpu.dimension_semantics<subcore_parallel>], iteration_bounds = array<i64: 2, 16>, scalar_prefetch = 0 : i64, scratch_operands = 7 : i64, tpu.core_type = #tpu.core_type<sc_vector_subcore>, window_params = [{transform_indices = #map}, {transform_indices = #map}, {transform_indices = #map}, {transform_indices = #map}, {transform_indices = #map1}]} {
    %mul3A = arith.constant 16 : i32
    %mul3A_0 = arith.muli %arg0, %mul3A : i32
    %add3A = arith.addi %mul3A_0, %arg1 : i32
    %mul3A_1 = arith.constant 632 : i32
    %mul3A_2 = arith.muli %arg1, %mul3A_1 : i32
    "tpu.region"() ({
      %run_scoped3A = tpu.sem_alloc : memref<!tpu.dma_semaphore, #tpu.memory_space<semaphore_mem>>
      tpu.enqueue_dma source(%arg5 : memref<8x128xf32, #tpu.memory_space<hbm>>) target(%arg10 : memref<8x128xf32, #tpu.memory_space<vmem>>) target_semaphore(%run_scoped3A : memref<!tpu.dma_semaphore, #tpu.memory_space<semaphore_mem>>)
      tpu.wait_dma2 semaphore(%run_scoped3A : memref<!tpu.dma_semaphore, #tpu.memory_space<semaphore_mem>>) src(%arg5 : memref<8x128xf32, #tpu.memory_space<hbm>>) dst(%arg10 : memref<8x128xf32, #tpu.memory_space<vmem>>)
      tpu.yield
    }) : () -> ()
    %scan3A = arith.constant 0 : i32
    %scan3A_3 = arith.constant 79 : i32
    %scan3A_4 = arith.addi %scan3A, %scan3A_3 : i32
    %scan3A_5 = arith.constant 1 : i32
    scf.for %scan3A_29 = %scan3A to %scan3A_4 step %scan3A_5  : i32 {
      %mul3A_30 = arith.constant 1 : i32
      %mul3A_31 = arith.muli %scan3A_29, %mul3A_30 : i32
      %add3A_32 = arith.constant 0 : i32
      %add3A_33 = arith.addi %add3A_32, %mul3A_31 : i32
      %mul3A_34 = arith.constant 8 : i32
      %mul3A_35 = arith.muli %add3A_33, %mul3A_34 : i32
      %add3A_36 = arith.addi %mul3A_2, %mul3A_35 : i32
      "tpu.region"() ({
        %run_scoped3A = tpu.sem_alloc : memref<!tpu.dma_semaphore, #tpu.memory_space<semaphore_mem>>
        %dma_start3A = arith.constant 0 : i32
        %dma_start3A_37 = tpu.memref_slice %arg12[%add3A_36, %dma_start3A] : memref<10112x128xf32, #tpu.memory_space<vmem_shared>> -> memref<8x128xf32, #tpu.memory_space<vmem_shared>>
        %dma_start3A_38 = arith.constant 0 : i32
        %dma_start3A_39 = tpu.memref_slice %arg12[%add3A_36, %dma_start3A_38] : memref<10112x128xf32, #tpu.memory_space<vmem_shared>> -> memref<8x128xf32, #tpu.memory_space<vmem_shared>>
        tpu.enqueue_dma source(%arg10 : memref<8x128xf32, #tpu.memory_space<vmem>>) target(%dma_start3A_39 : memref<8x128xf32, #tpu.memory_space<vmem_shared>>) target_semaphore(%run_scoped3A : memref<!tpu.dma_semaphore, #tpu.memory_space<semaphore_mem>>)
        %dma_wait3A = arith.constant 0 : i32
        %dma_wait3A_40 = tpu.memref_slice %arg12[%add3A_36, %dma_wait3A] : memref<10112x128xf32, #tpu.memory_space<vmem_shared>> -> memref<8x128xf32, #tpu.memory_space<vmem_shared>>
        %dma_wait3A_41 = arith.constant 0 : i32
        %dma_wait3A_42 = tpu.memref_slice %arg12[%add3A_36, %dma_wait3A_41] : memref<10112x128xf32, #tpu.memory_space<vmem_shared>> -> memref<8x128xf32, #tpu.memory_space<vmem_shared>>
        tpu.wait_dma2 semaphore(%run_scoped3A : memref<!tpu.dma_semaphore, #tpu.memory_space<semaphore_mem>>) src(%arg10 : memref<8x128xf32, #tpu.memory_space<vmem>>) dst(%dma_wait3A_42 : memref<8x128xf32, #tpu.memory_space<vmem_shared>>)
        tpu.yield
      }) : () -> ()
    }
    %scan3A_6 = arith.constant 79 : i32
    %barrier3A = arith.constant 0 : index
    tpu.barrier barrier_id(%barrier3A)
    %eq3A = arith.constant 0 : i32
    %eq3A_7 = arith.cmpi eq, %arg0, %eq3A : i32
    %jit3A = arith.constant 61 : i32
    %jit3A_8 = arith.constant 97 : i32
    %select_n3A = arith.select %eq3A_7, %jit3A, %jit3A_8 : i32
    %eq3A_9 = arith.constant 0 : i32
    %eq3A_10 = arith.cmpi eq, %arg0, %eq3A_9 : i32
    %mul3A_11 = arith.constant 61 : i32
    %mul3A_12 = arith.muli %arg1, %mul3A_11 : i32
    %mul3A_13 = arith.constant 97 : i32
    %mul3A_14 = arith.muli %arg1, %mul3A_13 : i32
    %add3A_15 = arith.constant 976 : i32
    %add3A_16 = arith.addi %add3A_15, %mul3A_14 : i32
    %select_n3A_17 = arith.select %eq3A_10, %mul3A_12, %add3A_16 : i32
    %scan3A_18 = arith.constant 0 : i32
    %scan3A_19 = arith.constant 97 : i32
    %scan3A_20 = arith.addi %scan3A_18, %scan3A_19 : i32
    %scan3A_21 = arith.constant 1 : i32
    scf.for %scan3A_29 = %scan3A_18 to %scan3A_20 step %scan3A_21  : i32 {
      %mul3A_30 = arith.constant 1 : i32
      %mul3A_31 = arith.muli %scan3A_29, %mul3A_30 : i32
      %add3A_32 = arith.constant 0 : i32
      %add3A_33 = arith.addi %add3A_32, %mul3A_31 : i32
      %lt3A = arith.cmpi slt, %add3A_33, %select_n3A : i32
      %convert_element_type3A = arith.extui %lt3A : i1 to i32
      %cond3A = arith.constant 0 : i32
      %cond3A_34 = arith.cmpi ne, %convert_element_type3A, %cond3A : i32
      scf.if %cond3A_34 {
        %add3A_35 = arith.addi %select_n3A_17, %add3A_33 : i32
        %run_scoped3A = arith.constant 0 : i32
        "tpu.region"() ({
          %run_scoped3A_50 = tpu.sem_alloc : memref<!tpu.dma_semaphore, #tpu.memory_space<semaphore_mem>>
          %dma_start3A_51 = arith.constant 0 : i32
          %dma_start3A_52 = tpu.memref_slice %arg7[%run_scoped3A, %dma_start3A_51] : memref<1x128xi32, #tpu.memory_space<vmem>> -> memref<1x128xi32, #tpu.memory_space<vmem>>
          %dma_start3A_53 = tpu.memref_squeeze %dma_start3A_52 : memref<1x128xi32, #tpu.memory_space<vmem>> -> memref<128xi32, #tpu.memory_space<vmem>>
          %dma_start3A_54 = arith.constant 0 : i32
          %dma_start3A_55 = tpu.memref_slice %arg3[%add3A_35, %dma_start3A_54] : memref<2528x128xi32, #tpu.memory_space<hbm>> -> memref<1x128xi32, #tpu.memory_space<hbm>>
          %dma_start3A_56 = tpu.memref_squeeze %dma_start3A_55 : memref<1x128xi32, #tpu.memory_space<hbm>> -> memref<128xi32, #tpu.memory_space<hbm>>
          %dma_start3A_57 = arith.constant 0 : i32
          %dma_start3A_58 = tpu.memref_slice %arg7[%run_scoped3A, %dma_start3A_57] : memref<1x128xi32, #tpu.memory_space<vmem>> -> memref<1x128xi32, #tpu.memory_space<vmem>>
          %dma_start3A_59 = tpu.memref_squeeze %dma_start3A_58 : memref<1x128xi32, #tpu.memory_space<vmem>> -> memref<128xi32, #tpu.memory_space<vmem>>
          %dma_start3A_60 = arith.constant 0 : i32
          %dma_start3A_61 = tpu.memref_slice %arg3[%add3A_35, %dma_start3A_60] : memref<2528x128xi32, #tpu.memory_space<hbm>> -> memref<1x128xi32, #tpu.memory_space<hbm>>
          %dma_start3A_62 = tpu.memref_squeeze %dma_start3A_61 : memref<1x128xi32, #tpu.memory_space<hbm>> -> memref<128xi32, #tpu.memory_space<hbm>>
          tpu.enqueue_dma source(%dma_start3A_62 : memref<128xi32, #tpu.memory_space<hbm>>) target(%dma_start3A_59 : memref<128xi32, #tpu.memory_space<vmem>>) target_semaphore(%run_scoped3A_50 : memref<!tpu.dma_semaphore, #tpu.memory_space<semaphore_mem>>)
          %dma_wait3A_63 = arith.constant 0 : i32
          %dma_wait3A_64 = tpu.memref_slice %arg7[%run_scoped3A, %dma_wait3A_63] : memref<1x128xi32, #tpu.memory_space<vmem>> -> memref<1x128xi32, #tpu.memory_space<vmem>>
          %dma_wait3A_65 = tpu.memref_squeeze %dma_wait3A_64 : memref<1x128xi32, #tpu.memory_space<vmem>> -> memref<128xi32, #tpu.memory_space<vmem>>
          %dma_wait3A_66 = arith.constant 0 : i32
          %dma_wait3A_67 = tpu.memref_slice %arg3[%add3A_35, %dma_wait3A_66] : memref<2528x128xi32, #tpu.memory_space<hbm>> -> memref<1x128xi32, #tpu.memory_space<hbm>>
          %dma_wait3A_68 = tpu.memref_squeeze %dma_wait3A_67 : memref<1x128xi32, #tpu.memory_space<hbm>> -> memref<128xi32, #tpu.memory_space<hbm>>
          %dma_wait3A_69 = arith.constant 0 : i32
          %dma_wait3A_70 = tpu.memref_slice %arg7[%run_scoped3A, %dma_wait3A_69] : memref<1x128xi32, #tpu.memory_space<vmem>> -> memref<1x128xi32, #tpu.memory_space<vmem>>
          %dma_wait3A_71 = tpu.memref_squeeze %dma_wait3A_70 : memref<1x128xi32, #tpu.memory_space<vmem>> -> memref<128xi32, #tpu.memory_space<vmem>>
          %dma_wait3A_72 = arith.constant 0 : i32
          %dma_wait3A_73 = tpu.memref_slice %arg3[%add3A_35, %dma_wait3A_72] : memref<2528x128xi32, #tpu.memory_space<hbm>> -> memref<1x128xi32, #tpu.memory_space<hbm>>
          %dma_wait3A_74 = tpu.memref_squeeze %dma_wait3A_73 : memref<1x128xi32, #tpu.memory_space<hbm>> -> memref<128xi32, #tpu.memory_space<hbm>>
          tpu.wait_dma2 semaphore(%run_scoped3A_50 : memref<!tpu.dma_semaphore, #tpu.memory_space<semaphore_mem>>) src(%dma_wait3A_74 : memref<128xi32, #tpu.memory_space<hbm>>) dst(%dma_wait3A_71 : memref<128xi32, #tpu.memory_space<vmem>>)
          tpu.yield
        }) : () -> ()
        %run_scoped3A_36 = arith.constant 0 : i32
        "tpu.region"() ({
          %run_scoped3A_50 = tpu.sem_alloc : memref<!tpu.dma_semaphore, #tpu.memory_space<semaphore_mem>>
          %dma_start3A_51 = arith.constant 0 : i32
          %dma_start3A_52 = tpu.memref_slice %arg8[%run_scoped3A_36, %dma_start3A_51] : memref<1x128xi32, #tpu.memory_space<vmem>> -> memref<1x128xi32, #tpu.memory_space<vmem>>
          %dma_start3A_53 = tpu.memref_squeeze %dma_start3A_52 : memref<1x128xi32, #tpu.memory_space<vmem>> -> memref<128xi32, #tpu.memory_space<vmem>>
          %dma_start3A_54 = arith.constant 0 : i32
          %dma_start3A_55 = tpu.memref_slice %arg4[%add3A_35, %dma_start3A_54] : memref<2528x128xi32, #tpu.memory_space<hbm>> -> memref<1x128xi32, #tpu.memory_space<hbm>>
          %dma_start3A_56 = tpu.memref_squeeze %dma_start3A_55 : memref<1x128xi32, #tpu.memory_space<hbm>> -> memref<128xi32, #tpu.memory_space<hbm>>
          %dma_start3A_57 = arith.constant 0 : i32
          %dma_start3A_58 = tpu.memref_slice %arg8[%run_scoped3A_36, %dma_start3A_57] : memref<1x128xi32, #tpu.memory_space<vmem>> -> memref<1x128xi32, #tpu.memory_space<vmem>>
          %dma_start3A_59 = tpu.memref_squeeze %dma_start3A_58 : memref<1x128xi32, #tpu.memory_space<vmem>> -> memref<128xi32, #tpu.memory_space<vmem>>
          %dma_start3A_60 = arith.constant 0 : i32
          %dma_start3A_61 = tpu.memref_slice %arg4[%add3A_35, %dma_start3A_60] : memref<2528x128xi32, #tpu.memory_space<hbm>> -> memref<1x128xi32, #tpu.memory_space<hbm>>
          %dma_start3A_62 = tpu.memref_squeeze %dma_start3A_61 : memref<1x128xi32, #tpu.memory_space<hbm>> -> memref<128xi32, #tpu.memory_space<hbm>>
          tpu.enqueue_dma source(%dma_start3A_62 : memref<128xi32, #tpu.memory_space<hbm>>) target(%dma_start3A_59 : memref<128xi32, #tpu.memory_space<vmem>>) target_semaphore(%run_scoped3A_50 : memref<!tpu.dma_semaphore, #tpu.memory_space<semaphore_mem>>)
          %dma_wait3A_63 = arith.constant 0 : i32
          %dma_wait3A_64 = tpu.memref_slice %arg8[%run_scoped3A_36, %dma_wait3A_63] : memref<1x128xi32, #tpu.memory_space<vmem>> -> memref<1x128xi32, #tpu.memory_space<vmem>>
          %dma_wait3A_65 = tpu.memref_squeeze %dma_wait3A_64 : memref<1x128xi32, #tpu.memory_space<vmem>> -> memref<128xi32, #tpu.memory_space<vmem>>
          %dma_wait3A_66 = arith.constant 0 : i32
          %dma_wait3A_67 = tpu.memref_slice %arg4[%add3A_35, %dma_wait3A_66] : memref<2528x128xi32, #tpu.memory_space<hbm>> -> memref<1x128xi32, #tpu.memory_space<hbm>>
          %dma_wait3A_68 = tpu.memref_squeeze %dma_wait3A_67 : memref<1x128xi32, #tpu.memory_space<hbm>> -> memref<128xi32, #tpu.memory_space<hbm>>
          %dma_wait3A_69 = arith.constant 0 : i32
          %dma_wait3A_70 = tpu.memref_slice %arg8[%run_scoped3A_36, %dma_wait3A_69] : memref<1x128xi32, #tpu.memory_space<vmem>> -> memref<1x128xi32, #tpu.memory_space<vmem>>
          %dma_wait3A_71 = tpu.memref_squeeze %dma_wait3A_70 : memref<1x128xi32, #tpu.memory_space<vmem>> -> memref<128xi32, #tpu.memory_space<vmem>>
          %dma_wait3A_72 = arith.constant 0 : i32
          %dma_wait3A_73 = tpu.memref_slice %arg4[%add3A_35, %dma_wait3A_72] : memref<2528x128xi32, #tpu.memory_space<hbm>> -> memref<1x128xi32, #tpu.memory_space<hbm>>
          %dma_wait3A_74 = tpu.memref_squeeze %dma_wait3A_73 : memref<1x128xi32, #tpu.memory_space<hbm>> -> memref<128xi32, #tpu.memory_space<hbm>>
          tpu.wait_dma2 semaphore(%run_scoped3A_50 : memref<!tpu.dma_semaphore, #tpu.memory_space<semaphore_mem>>) src(%dma_wait3A_74 : memref<128xi32, #tpu.memory_space<hbm>>) dst(%dma_wait3A_71 : memref<128xi32, #tpu.memory_space<vmem>>)
          tpu.yield
        }) : () -> ()
        %dma_start3A = arith.constant 0 : i32
        %dma_start3A_37 = arith.constant 0 : i32
        %dma_start3A_38 = tpu.memref_slice %arg7[%dma_start3A, %dma_start3A_37] : memref<1x128xi32, #tpu.memory_space<vmem>> -> memref<1x128xi32, #tpu.memory_space<vmem>>
        %dma_start3A_39 = tpu.memref_squeeze %dma_start3A_38 : memref<1x128xi32, #tpu.memory_space<vmem>> -> memref<128xi32, #tpu.memory_space<vmem>>
        %dma_start3A_40 = arith.constant 0 : i32
        %dma_start3A_41 = arith.constant 0 : i32
        %dma_start3A_42 = tpu.memref_slice %arg2[%dma_start3A_40, %dma_start3A_41] : memref<10000x128xf32, #tpu.memory_space<hbm>> -> memref<10000x128xf32, #tpu.memory_space<hbm>>
        tpu.enqueue_indirect_dma source(%dma_start3A_42 : memref<10000x128xf32, #tpu.memory_space<hbm>>) target(%arg9 : memref<128x128xf32, #tpu.memory_space<vmem>>) offsets(%dma_start3A_39 : memref<128xi32, #tpu.memory_space<vmem>>) semaphore(%arg13 : memref<!tpu.dma_semaphore, #tpu.memory_space<semaphore_mem>>)
        %dma_wait3A = arith.constant 0 : i32
        %dma_wait3A_43 = arith.constant 0 : i32
        %dma_wait3A_44 = tpu.memref_slice %arg7[%dma_wait3A, %dma_wait3A_43] : memref<1x128xi32, #tpu.memory_space<vmem>> -> memref<1x128xi32, #tpu.memory_space<vmem>>
        %dma_wait3A_45 = tpu.memref_squeeze %dma_wait3A_44 : memref<1x128xi32, #tpu.memory_space<vmem>> -> memref<128xi32, #tpu.memory_space<vmem>>
        %dma_wait3A_46 = arith.constant 0 : i32
        %dma_wait3A_47 = arith.constant 0 : i32
        %dma_wait3A_48 = tpu.memref_slice %arg2[%dma_wait3A_46, %dma_wait3A_47] : memref<10000x128xf32, #tpu.memory_space<hbm>> -> memref<10000x128xf32, #tpu.memory_space<hbm>>
        tpu.wait_indirect_dma semaphore(%arg13 : memref<!tpu.dma_semaphore, #tpu.memory_space<semaphore_mem>>) src(%dma_wait3A_48 : memref<10000x128xf32, #tpu.memory_space<hbm>>) dst(%arg9 : memref<128x128xf32, #tpu.memory_space<vmem>>)
        %run_scoped3A_49 = arith.constant 0 : i32
        "tpu.region"() ({
          %run_scoped3A_50 = tpu.sem_alloc : memref<!tpu.dma_semaphore, #tpu.memory_space<semaphore_mem>>
          %dma_start3A_51 = arith.constant 0 : i32
          %dma_start3A_52 = tpu.memref_slice %arg8[%run_scoped3A_49, %dma_start3A_51] : memref<1x128xi32, #tpu.memory_space<vmem>> -> memref<1x128xi32, #tpu.memory_space<vmem>>
          %dma_start3A_53 = tpu.memref_squeeze %dma_start3A_52 : memref<1x128xi32, #tpu.memory_space<vmem>> -> memref<128xi32, #tpu.memory_space<vmem>>
          %dma_start3A_54 = arith.constant 0 : i32
          %dma_start3A_55 = arith.constant 0 : i32
          %dma_start3A_56 = tpu.memref_slice %arg12[%dma_start3A_54, %dma_start3A_55] : memref<10112x128xf32, #tpu.memory_space<vmem_shared>> -> memref<10112x128xf32, #tpu.memory_space<vmem_shared>>
          tpu.enqueue_indirect_dma source(%arg9 : memref<128x128xf32, #tpu.memory_space<vmem>>) target(%dma_start3A_56 : memref<10112x128xf32, #tpu.memory_space<vmem_shared>>) offsets(%dma_start3A_53 : memref<128xi32, #tpu.memory_space<vmem>>) semaphore(%run_scoped3A_50 : memref<!tpu.dma_semaphore, #tpu.memory_space<semaphore_mem>>) {add = true}
          %dma_wait3A_57 = arith.constant 0 : i32
          %dma_wait3A_58 = tpu.memref_slice %arg8[%run_scoped3A_49, %dma_wait3A_57] : memref<1x128xi32, #tpu.memory_space<vmem>> -> memref<1x128xi32, #tpu.memory_space<vmem>>
          %dma_wait3A_59 = tpu.memref_squeeze %dma_wait3A_58 : memref<1x128xi32, #tpu.memory_space<vmem>> -> memref<128xi32, #tpu.memory_space<vmem>>
          %dma_wait3A_60 = arith.constant 0 : i32
          %dma_wait3A_61 = arith.constant 0 : i32
          %dma_wait3A_62 = tpu.memref_slice %arg12[%dma_wait3A_60, %dma_wait3A_61] : memref<10112x128xf32, #tpu.memory_space<vmem_shared>> -> memref<10112x128xf32, #tpu.memory_space<vmem_shared>>
          tpu.wait_indirect_dma semaphore(%run_scoped3A_50 : memref<!tpu.dma_semaphore, #tpu.memory_space<semaphore_mem>>) src(%arg9 : memref<128x128xf32, #tpu.memory_space<vmem>>) dst(%dma_wait3A_62 : memref<10112x128xf32, #tpu.memory_space<vmem_shared>>)
          tpu.yield
        }) : () -> ()
      } else {
      }
    }
    %scan3A_22 = arith.constant 97 : i32
    %barrier3A_23 = arith.constant 0 : index
    tpu.barrier barrier_id(%barrier3A_23)
    %scan3A_24 = arith.constant 0 : i32
    %scan3A_25 = arith.constant 79 : i32
    %scan3A_26 = arith.addi %scan3A_24, %scan3A_25 : i32
    %scan3A_27 = arith.constant 1 : i32
    scf.for %scan3A_29 = %scan3A_24 to %scan3A_26 step %scan3A_27  : i32 {
      %mul3A_30 = arith.constant 1 : i32
      %mul3A_31 = arith.muli %scan3A_29, %mul3A_30 : i32
      %add3A_32 = arith.constant 0 : i32
      %add3A_33 = arith.addi %add3A_32, %mul3A_31 : i32
      %mul3A_34 = arith.constant 8 : i32
      %mul3A_35 = arith.muli %add3A_33, %mul3A_34 : i32
      %add3A_36 = arith.addi %mul3A_2, %mul3A_35 : i32
      "tpu.region"() ({
        %run_scoped3A = tpu.sem_alloc : memref<!tpu.dma_semaphore, #tpu.memory_space<semaphore_mem>>
        %dma_start3A = arith.constant 0 : i32
        %dma_start3A_40 = tpu.memref_slice %arg12[%add3A_36, %dma_start3A] : memref<10112x128xf32, #tpu.memory_space<vmem_shared>> -> memref<8x128xf32, #tpu.memory_space<vmem_shared>>
        %dma_start3A_41 = arith.constant 0 : i32
        %dma_start3A_42 = tpu.memref_slice %arg12[%add3A_36, %dma_start3A_41] : memref<10112x128xf32, #tpu.memory_space<vmem_shared>> -> memref<8x128xf32, #tpu.memory_space<vmem_shared>>
        tpu.enqueue_dma source(%dma_start3A_42 : memref<8x128xf32, #tpu.memory_space<vmem_shared>>) target(%arg11 : memref<8x128xf32, #tpu.memory_space<vmem>>) target_semaphore(%run_scoped3A : memref<!tpu.dma_semaphore, #tpu.memory_space<semaphore_mem>>)
        %dma_wait3A = arith.constant 0 : i32
        %dma_wait3A_43 = tpu.memref_slice %arg12[%add3A_36, %dma_wait3A] : memref<10112x128xf32, #tpu.memory_space<vmem_shared>> -> memref<8x128xf32, #tpu.memory_space<vmem_shared>>
        %dma_wait3A_44 = arith.constant 0 : i32
        %dma_wait3A_45 = tpu.memref_slice %arg12[%add3A_36, %dma_wait3A_44] : memref<10112x128xf32, #tpu.memory_space<vmem_shared>> -> memref<8x128xf32, #tpu.memory_space<vmem_shared>>
        tpu.wait_dma2 semaphore(%run_scoped3A : memref<!tpu.dma_semaphore, #tpu.memory_space<semaphore_mem>>) src(%dma_wait3A_45 : memref<8x128xf32, #tpu.memory_space<vmem_shared>>) dst(%arg11 : memref<8x128xf32, #tpu.memory_space<vmem>>)
        tpu.yield
      }) : () -> ()
      %mul3A_37 = arith.constant 79 : i32
      %mul3A_38 = arith.muli %add3A, %mul3A_37 : i32
      %add3A_39 = arith.addi %mul3A_38, %add3A_33 : i32
      "tpu.region"() ({
        %run_scoped3A = tpu.sem_alloc : memref<!tpu.dma_semaphore, #tpu.memory_space<semaphore_mem>>
        %dma_start3A = arith.constant 0 : i32
        %dma_start3A_40 = arith.constant 0 : i32
        %dma_start3A_41 = tpu.memref_slice %arg6[%add3A_39, %dma_start3A, %dma_start3A_40] : memref<2528x8x128xf32, #tpu.memory_space<hbm>> -> memref<1x8x128xf32, #tpu.memory_space<hbm>>
        %dma_start3A_42 = tpu.memref_squeeze %dma_start3A_41 : memref<1x8x128xf32, #tpu.memory_space<hbm>> -> memref<8x128xf32, #tpu.memory_space<hbm>>
        %dma_start3A_43 = arith.constant 0 : i32
        %dma_start3A_44 = arith.constant 0 : i32
        %dma_start3A_45 = tpu.memref_slice %arg6[%add3A_39, %dma_start3A_43, %dma_start3A_44] : memref<2528x8x128xf32, #tpu.memory_space<hbm>> -> memref<1x8x128xf32, #tpu.memory_space<hbm>>
        %dma_start3A_46 = tpu.memref_squeeze %dma_start3A_45 : memref<1x8x128xf32, #tpu.memory_space<hbm>> -> memref<8x128xf32, #tpu.memory_space<hbm>>
        tpu.enqueue_dma source(%arg11 : memref<8x128xf32, #tpu.memory_space<vmem>>) target(%dma_start3A_46 : memref<8x128xf32, #tpu.memory_space<hbm>>) target_semaphore(%run_scoped3A : memref<!tpu.dma_semaphore, #tpu.memory_space<semaphore_mem>>)
        %dma_wait3A = arith.constant 0 : i32
        %dma_wait3A_47 = arith.constant 0 : i32
        %dma_wait3A_48 = tpu.memref_slice %arg6[%add3A_39, %dma_wait3A, %dma_wait3A_47] : memref<2528x8x128xf32, #tpu.memory_space<hbm>> -> memref<1x8x128xf32, #tpu.memory_space<hbm>>
        %dma_wait3A_49 = tpu.memref_squeeze %dma_wait3A_48 : memref<1x8x128xf32, #tpu.memory_space<hbm>> -> memref<8x128xf32, #tpu.memory_space<hbm>>
        %dma_wait3A_50 = arith.constant 0 : i32
        %dma_wait3A_51 = arith.constant 0 : i32
        %dma_wait3A_52 = tpu.memref_slice %arg6[%add3A_39, %dma_wait3A_50, %dma_wait3A_51] : memref<2528x8x128xf32, #tpu.memory_space<hbm>> -> memref<1x8x128xf32, #tpu.memory_space<hbm>>
        %dma_wait3A_53 = tpu.memref_squeeze %dma_wait3A_52 : memref<1x8x128xf32, #tpu.memory_space<hbm>> -> memref<8x128xf32, #tpu.memory_space<hbm>>
        tpu.wait_dma2 semaphore(%run_scoped3A : memref<!tpu.dma_semaphore, #tpu.memory_space<semaphore_mem>>) src(%arg11 : memref<8x128xf32, #tpu.memory_space<vmem>>) dst(%dma_wait3A_53 : memref<8x128xf32, #tpu.memory_space<hbm>>)
        tpu.yield
      }) : () -> ()
    }
    %scan3A_28 = arith.constant 79 : i32
    return
  }
}

#map = affine_map<(d0, d1) -> (0, 0)>
#map1 = affine_map<(d0, d1) -> (0, 0, 0)>
module attributes {stable_mosaic.version = 14 : i64} {
  func.func @_cnt_body(%arg0: i32, %arg1: i32, %arg2: memref<2528x128xi32, #tpu.memory_space<hbm>>, %arg3: memref<128x128xf32, #tpu.memory_space<hbm>>, %arg4: memref<8x128xf32, #tpu.memory_space<hbm>>, %arg5: memref<2528x8x128xf32, #tpu.memory_space<hbm>>, %arg6: memref<1x128xi32, #tpu.memory_space<vmem>>, %arg7: memref<128x128xf32, #tpu.memory_space<vmem>>, %arg8: memref<8x128xf32, #tpu.memory_space<vmem>>, %arg9: memref<8x128xf32, #tpu.memory_space<vmem>>, %arg10: memref<10112x128xf32, #tpu.memory_space<vmem_shared>>) attributes {dimension_semantics = [#tpu.dimension_semantics<core_parallel>, #tpu.dimension_semantics<subcore_parallel>], iteration_bounds = array<i64: 2, 16>, scalar_prefetch = 0 : i64, scratch_operands = 5 : i64, tpu.core_type = #tpu.core_type<sc_vector_subcore>, window_params = [{transform_indices = #map}, {transform_indices = #map}, {transform_indices = #map}, {transform_indices = #map1}]} {
    %mul3A = arith.constant 16 : i32
    %mul3A_0 = arith.muli %arg0, %mul3A : i32
    %add3A = arith.addi %mul3A_0, %arg1 : i32
    %mul3A_1 = arith.constant 632 : i32
    %mul3A_2 = arith.muli %arg1, %mul3A_1 : i32
    "tpu.region"() ({
      %run_scoped3A = tpu.sem_alloc : memref<!tpu.dma_semaphore, #tpu.memory_space<semaphore_mem>>
      tpu.enqueue_dma source(%arg4 : memref<8x128xf32, #tpu.memory_space<hbm>>) target(%arg8 : memref<8x128xf32, #tpu.memory_space<vmem>>) target_semaphore(%run_scoped3A : memref<!tpu.dma_semaphore, #tpu.memory_space<semaphore_mem>>)
      tpu.wait_dma2 semaphore(%run_scoped3A : memref<!tpu.dma_semaphore, #tpu.memory_space<semaphore_mem>>) src(%arg4 : memref<8x128xf32, #tpu.memory_space<hbm>>) dst(%arg8 : memref<8x128xf32, #tpu.memory_space<vmem>>)
      tpu.yield
    }) : () -> ()
    "tpu.region"() ({
      %run_scoped3A = tpu.sem_alloc : memref<!tpu.dma_semaphore, #tpu.memory_space<semaphore_mem>>
      tpu.enqueue_dma source(%arg3 : memref<128x128xf32, #tpu.memory_space<hbm>>) target(%arg7 : memref<128x128xf32, #tpu.memory_space<vmem>>) target_semaphore(%run_scoped3A : memref<!tpu.dma_semaphore, #tpu.memory_space<semaphore_mem>>)
      tpu.wait_dma2 semaphore(%run_scoped3A : memref<!tpu.dma_semaphore, #tpu.memory_space<semaphore_mem>>) src(%arg3 : memref<128x128xf32, #tpu.memory_space<hbm>>) dst(%arg7 : memref<128x128xf32, #tpu.memory_space<vmem>>)
      tpu.yield
    }) : () -> ()
    %scan3A = arith.constant 0 : i32
    %scan3A_3 = arith.constant 79 : i32
    %scan3A_4 = arith.addi %scan3A, %scan3A_3 : i32
    %scan3A_5 = arith.constant 1 : i32
    scf.for %scan3A_18 = %scan3A to %scan3A_4 step %scan3A_5  : i32 {
      %mul3A_19 = arith.constant 1 : i32
      %mul3A_20 = arith.muli %scan3A_18, %mul3A_19 : i32
      %add3A_21 = arith.constant 0 : i32
      %add3A_22 = arith.addi %add3A_21, %mul3A_20 : i32
      %mul3A_23 = arith.constant 8 : i32
      %mul3A_24 = arith.muli %add3A_22, %mul3A_23 : i32
      %add3A_25 = arith.addi %mul3A_2, %mul3A_24 : i32
      "tpu.region"() ({
        %run_scoped3A = tpu.sem_alloc : memref<!tpu.dma_semaphore, #tpu.memory_space<semaphore_mem>>
        %dma_start3A = arith.constant 0 : i32
        %dma_start3A_26 = tpu.memref_slice %arg10[%add3A_25, %dma_start3A] : memref<10112x128xf32, #tpu.memory_space<vmem_shared>> -> memref<8x128xf32, #tpu.memory_space<vmem_shared>>
        %dma_start3A_27 = arith.constant 0 : i32
        %dma_start3A_28 = tpu.memref_slice %arg10[%add3A_25, %dma_start3A_27] : memref<10112x128xf32, #tpu.memory_space<vmem_shared>> -> memref<8x128xf32, #tpu.memory_space<vmem_shared>>
        tpu.enqueue_dma source(%arg8 : memref<8x128xf32, #tpu.memory_space<vmem>>) target(%dma_start3A_28 : memref<8x128xf32, #tpu.memory_space<vmem_shared>>) target_semaphore(%run_scoped3A : memref<!tpu.dma_semaphore, #tpu.memory_space<semaphore_mem>>)
        %dma_wait3A = arith.constant 0 : i32
        %dma_wait3A_29 = tpu.memref_slice %arg10[%add3A_25, %dma_wait3A] : memref<10112x128xf32, #tpu.memory_space<vmem_shared>> -> memref<8x128xf32, #tpu.memory_space<vmem_shared>>
        %dma_wait3A_30 = arith.constant 0 : i32
        %dma_wait3A_31 = tpu.memref_slice %arg10[%add3A_25, %dma_wait3A_30] : memref<10112x128xf32, #tpu.memory_space<vmem_shared>> -> memref<8x128xf32, #tpu.memory_space<vmem_shared>>
        tpu.wait_dma2 semaphore(%run_scoped3A : memref<!tpu.dma_semaphore, #tpu.memory_space<semaphore_mem>>) src(%arg8 : memref<8x128xf32, #tpu.memory_space<vmem>>) dst(%dma_wait3A_31 : memref<8x128xf32, #tpu.memory_space<vmem_shared>>)
        tpu.yield
      }) : () -> ()
    }
    %scan3A_6 = arith.constant 79 : i32
    %barrier3A = arith.constant 0 : index
    tpu.barrier barrier_id(%barrier3A)
    %scan3A_7 = arith.constant 0 : i32
    %scan3A_8 = arith.constant 79 : i32
    %scan3A_9 = arith.addi %scan3A_7, %scan3A_8 : i32
    %scan3A_10 = arith.constant 1 : i32
    scf.for %scan3A_18 = %scan3A_7 to %scan3A_9 step %scan3A_10  : i32 {
      %mul3A_19 = arith.constant 1 : i32
      %mul3A_20 = arith.muli %scan3A_18, %mul3A_19 : i32
      %add3A_21 = arith.constant 0 : i32
      %add3A_22 = arith.addi %add3A_21, %mul3A_20 : i32
      %mul3A_23 = arith.constant 79 : i32
      %mul3A_24 = arith.muli %add3A, %mul3A_23 : i32
      %add3A_25 = arith.addi %mul3A_24, %add3A_22 : i32
      %run_scoped3A = arith.constant 0 : i32
      "tpu.region"() ({
        %run_scoped3A_27 = tpu.sem_alloc : memref<!tpu.dma_semaphore, #tpu.memory_space<semaphore_mem>>
        %dma_start3A = arith.constant 0 : i32
        %dma_start3A_28 = tpu.memref_slice %arg6[%run_scoped3A, %dma_start3A] : memref<1x128xi32, #tpu.memory_space<vmem>> -> memref<1x128xi32, #tpu.memory_space<vmem>>
        %dma_start3A_29 = tpu.memref_squeeze %dma_start3A_28 : memref<1x128xi32, #tpu.memory_space<vmem>> -> memref<128xi32, #tpu.memory_space<vmem>>
        %dma_start3A_30 = arith.constant 0 : i32
        %dma_start3A_31 = tpu.memref_slice %arg2[%add3A_25, %dma_start3A_30] : memref<2528x128xi32, #tpu.memory_space<hbm>> -> memref<1x128xi32, #tpu.memory_space<hbm>>
        %dma_start3A_32 = tpu.memref_squeeze %dma_start3A_31 : memref<1x128xi32, #tpu.memory_space<hbm>> -> memref<128xi32, #tpu.memory_space<hbm>>
        %dma_start3A_33 = arith.constant 0 : i32
        %dma_start3A_34 = tpu.memref_slice %arg6[%run_scoped3A, %dma_start3A_33] : memref<1x128xi32, #tpu.memory_space<vmem>> -> memref<1x128xi32, #tpu.memory_space<vmem>>
        %dma_start3A_35 = tpu.memref_squeeze %dma_start3A_34 : memref<1x128xi32, #tpu.memory_space<vmem>> -> memref<128xi32, #tpu.memory_space<vmem>>
        %dma_start3A_36 = arith.constant 0 : i32
        %dma_start3A_37 = tpu.memref_slice %arg2[%add3A_25, %dma_start3A_36] : memref<2528x128xi32, #tpu.memory_space<hbm>> -> memref<1x128xi32, #tpu.memory_space<hbm>>
        %dma_start3A_38 = tpu.memref_squeeze %dma_start3A_37 : memref<1x128xi32, #tpu.memory_space<hbm>> -> memref<128xi32, #tpu.memory_space<hbm>>
        tpu.enqueue_dma source(%dma_start3A_38 : memref<128xi32, #tpu.memory_space<hbm>>) target(%dma_start3A_35 : memref<128xi32, #tpu.memory_space<vmem>>) target_semaphore(%run_scoped3A_27 : memref<!tpu.dma_semaphore, #tpu.memory_space<semaphore_mem>>)
        %dma_wait3A = arith.constant 0 : i32
        %dma_wait3A_39 = tpu.memref_slice %arg6[%run_scoped3A, %dma_wait3A] : memref<1x128xi32, #tpu.memory_space<vmem>> -> memref<1x128xi32, #tpu.memory_space<vmem>>
        %dma_wait3A_40 = tpu.memref_squeeze %dma_wait3A_39 : memref<1x128xi32, #tpu.memory_space<vmem>> -> memref<128xi32, #tpu.memory_space<vmem>>
        %dma_wait3A_41 = arith.constant 0 : i32
        %dma_wait3A_42 = tpu.memref_slice %arg2[%add3A_25, %dma_wait3A_41] : memref<2528x128xi32, #tpu.memory_space<hbm>> -> memref<1x128xi32, #tpu.memory_space<hbm>>
        %dma_wait3A_43 = tpu.memref_squeeze %dma_wait3A_42 : memref<1x128xi32, #tpu.memory_space<hbm>> -> memref<128xi32, #tpu.memory_space<hbm>>
        %dma_wait3A_44 = arith.constant 0 : i32
        %dma_wait3A_45 = tpu.memref_slice %arg6[%run_scoped3A, %dma_wait3A_44] : memref<1x128xi32, #tpu.memory_space<vmem>> -> memref<1x128xi32, #tpu.memory_space<vmem>>
        %dma_wait3A_46 = tpu.memref_squeeze %dma_wait3A_45 : memref<1x128xi32, #tpu.memory_space<vmem>> -> memref<128xi32, #tpu.memory_space<vmem>>
        %dma_wait3A_47 = arith.constant 0 : i32
        %dma_wait3A_48 = tpu.memref_slice %arg2[%add3A_25, %dma_wait3A_47] : memref<2528x128xi32, #tpu.memory_space<hbm>> -> memref<1x128xi32, #tpu.memory_space<hbm>>
        %dma_wait3A_49 = tpu.memref_squeeze %dma_wait3A_48 : memref<1x128xi32, #tpu.memory_space<hbm>> -> memref<128xi32, #tpu.memory_space<hbm>>
        tpu.wait_dma2 semaphore(%run_scoped3A_27 : memref<!tpu.dma_semaphore, #tpu.memory_space<semaphore_mem>>) src(%dma_wait3A_49 : memref<128xi32, #tpu.memory_space<hbm>>) dst(%dma_wait3A_46 : memref<128xi32, #tpu.memory_space<vmem>>)
        tpu.yield
      }) : () -> ()
      %run_scoped3A_26 = arith.constant 0 : i32
      "tpu.region"() ({
        %run_scoped3A_27 = tpu.sem_alloc : memref<!tpu.dma_semaphore, #tpu.memory_space<semaphore_mem>>
        %dma_start3A = arith.constant 0 : i32
        %dma_start3A_28 = tpu.memref_slice %arg6[%run_scoped3A_26, %dma_start3A] : memref<1x128xi32, #tpu.memory_space<vmem>> -> memref<1x128xi32, #tpu.memory_space<vmem>>
        %dma_start3A_29 = tpu.memref_squeeze %dma_start3A_28 : memref<1x128xi32, #tpu.memory_space<vmem>> -> memref<128xi32, #tpu.memory_space<vmem>>
        %dma_start3A_30 = arith.constant 0 : i32
        %dma_start3A_31 = arith.constant 0 : i32
        %dma_start3A_32 = tpu.memref_slice %arg10[%dma_start3A_30, %dma_start3A_31] : memref<10112x128xf32, #tpu.memory_space<vmem_shared>> -> memref<10112x128xf32, #tpu.memory_space<vmem_shared>>
        tpu.enqueue_indirect_dma source(%arg7 : memref<128x128xf32, #tpu.memory_space<vmem>>) target(%dma_start3A_32 : memref<10112x128xf32, #tpu.memory_space<vmem_shared>>) offsets(%dma_start3A_29 : memref<128xi32, #tpu.memory_space<vmem>>) semaphore(%run_scoped3A_27 : memref<!tpu.dma_semaphore, #tpu.memory_space<semaphore_mem>>) {add = true}
        %dma_wait3A = arith.constant 0 : i32
        %dma_wait3A_33 = tpu.memref_slice %arg6[%run_scoped3A_26, %dma_wait3A] : memref<1x128xi32, #tpu.memory_space<vmem>> -> memref<1x128xi32, #tpu.memory_space<vmem>>
        %dma_wait3A_34 = tpu.memref_squeeze %dma_wait3A_33 : memref<1x128xi32, #tpu.memory_space<vmem>> -> memref<128xi32, #tpu.memory_space<vmem>>
        %dma_wait3A_35 = arith.constant 0 : i32
        %dma_wait3A_36 = arith.constant 0 : i32
        %dma_wait3A_37 = tpu.memref_slice %arg10[%dma_wait3A_35, %dma_wait3A_36] : memref<10112x128xf32, #tpu.memory_space<vmem_shared>> -> memref<10112x128xf32, #tpu.memory_space<vmem_shared>>
        tpu.wait_indirect_dma semaphore(%run_scoped3A_27 : memref<!tpu.dma_semaphore, #tpu.memory_space<semaphore_mem>>) src(%arg7 : memref<128x128xf32, #tpu.memory_space<vmem>>) dst(%dma_wait3A_37 : memref<10112x128xf32, #tpu.memory_space<vmem_shared>>)
        tpu.yield
      }) : () -> ()
    }
    %scan3A_11 = arith.constant 79 : i32
    %barrier3A_12 = arith.constant 0 : index
    tpu.barrier barrier_id(%barrier3A_12)
    %scan3A_13 = arith.constant 0 : i32
    %scan3A_14 = arith.constant 79 : i32
    %scan3A_15 = arith.addi %scan3A_13, %scan3A_14 : i32
    %scan3A_16 = arith.constant 1 : i32
    scf.for %scan3A_18 = %scan3A_13 to %scan3A_15 step %scan3A_16  : i32 {
      %mul3A_19 = arith.constant 1 : i32
      %mul3A_20 = arith.muli %scan3A_18, %mul3A_19 : i32
      %add3A_21 = arith.constant 0 : i32
      %add3A_22 = arith.addi %add3A_21, %mul3A_20 : i32
      %mul3A_23 = arith.constant 8 : i32
      %mul3A_24 = arith.muli %add3A_22, %mul3A_23 : i32
      %add3A_25 = arith.addi %mul3A_2, %mul3A_24 : i32
      "tpu.region"() ({
        %run_scoped3A = tpu.sem_alloc : memref<!tpu.dma_semaphore, #tpu.memory_space<semaphore_mem>>
        %dma_start3A = arith.constant 0 : i32
        %dma_start3A_29 = tpu.memref_slice %arg10[%add3A_25, %dma_start3A] : memref<10112x128xf32, #tpu.memory_space<vmem_shared>> -> memref<8x128xf32, #tpu.memory_space<vmem_shared>>
        %dma_start3A_30 = arith.constant 0 : i32
        %dma_start3A_31 = tpu.memref_slice %arg10[%add3A_25, %dma_start3A_30] : memref<10112x128xf32, #tpu.memory_space<vmem_shared>> -> memref<8x128xf32, #tpu.memory_space<vmem_shared>>
        tpu.enqueue_dma source(%dma_start3A_31 : memref<8x128xf32, #tpu.memory_space<vmem_shared>>) target(%arg9 : memref<8x128xf32, #tpu.memory_space<vmem>>) target_semaphore(%run_scoped3A : memref<!tpu.dma_semaphore, #tpu.memory_space<semaphore_mem>>)
        %dma_wait3A = arith.constant 0 : i32
        %dma_wait3A_32 = tpu.memref_slice %arg10[%add3A_25, %dma_wait3A] : memref<10112x128xf32, #tpu.memory_space<vmem_shared>> -> memref<8x128xf32, #tpu.memory_space<vmem_shared>>
        %dma_wait3A_33 = arith.constant 0 : i32
        %dma_wait3A_34 = tpu.memref_slice %arg10[%add3A_25, %dma_wait3A_33] : memref<10112x128xf32, #tpu.memory_space<vmem_shared>> -> memref<8x128xf32, #tpu.memory_space<vmem_shared>>
        tpu.wait_dma2 semaphore(%run_scoped3A : memref<!tpu.dma_semaphore, #tpu.memory_space<semaphore_mem>>) src(%dma_wait3A_34 : memref<8x128xf32, #tpu.memory_space<vmem_shared>>) dst(%arg9 : memref<8x128xf32, #tpu.memory_space<vmem>>)
        tpu.yield
      }) : () -> ()
      %mul3A_26 = arith.constant 79 : i32
      %mul3A_27 = arith.muli %add3A, %mul3A_26 : i32
      %add3A_28 = arith.addi %mul3A_27, %add3A_22 : i32
      "tpu.region"() ({
        %run_scoped3A = tpu.sem_alloc : memref<!tpu.dma_semaphore, #tpu.memory_space<semaphore_mem>>
        %dma_start3A = arith.constant 0 : i32
        %dma_start3A_29 = arith.constant 0 : i32
        %dma_start3A_30 = tpu.memref_slice %arg5[%add3A_28, %dma_start3A, %dma_start3A_29] : memref<2528x8x128xf32, #tpu.memory_space<hbm>> -> memref<1x8x128xf32, #tpu.memory_space<hbm>>
        %dma_start3A_31 = tpu.memref_squeeze %dma_start3A_30 : memref<1x8x128xf32, #tpu.memory_space<hbm>> -> memref<8x128xf32, #tpu.memory_space<hbm>>
        %dma_start3A_32 = arith.constant 0 : i32
        %dma_start3A_33 = arith.constant 0 : i32
        %dma_start3A_34 = tpu.memref_slice %arg5[%add3A_28, %dma_start3A_32, %dma_start3A_33] : memref<2528x8x128xf32, #tpu.memory_space<hbm>> -> memref<1x8x128xf32, #tpu.memory_space<hbm>>
        %dma_start3A_35 = tpu.memref_squeeze %dma_start3A_34 : memref<1x8x128xf32, #tpu.memory_space<hbm>> -> memref<8x128xf32, #tpu.memory_space<hbm>>
        tpu.enqueue_dma source(%arg9 : memref<8x128xf32, #tpu.memory_space<vmem>>) target(%dma_start3A_35 : memref<8x128xf32, #tpu.memory_space<hbm>>) target_semaphore(%run_scoped3A : memref<!tpu.dma_semaphore, #tpu.memory_space<semaphore_mem>>)
        %dma_wait3A = arith.constant 0 : i32
        %dma_wait3A_36 = arith.constant 0 : i32
        %dma_wait3A_37 = tpu.memref_slice %arg5[%add3A_28, %dma_wait3A, %dma_wait3A_36] : memref<2528x8x128xf32, #tpu.memory_space<hbm>> -> memref<1x8x128xf32, #tpu.memory_space<hbm>>
        %dma_wait3A_38 = tpu.memref_squeeze %dma_wait3A_37 : memref<1x8x128xf32, #tpu.memory_space<hbm>> -> memref<8x128xf32, #tpu.memory_space<hbm>>
        %dma_wait3A_39 = arith.constant 0 : i32
        %dma_wait3A_40 = arith.constant 0 : i32
        %dma_wait3A_41 = tpu.memref_slice %arg5[%add3A_28, %dma_wait3A_39, %dma_wait3A_40] : memref<2528x8x128xf32, #tpu.memory_space<hbm>> -> memref<1x8x128xf32, #tpu.memory_space<hbm>>
        %dma_wait3A_42 = tpu.memref_squeeze %dma_wait3A_41 : memref<1x8x128xf32, #tpu.memory_space<hbm>> -> memref<8x128xf32, #tpu.memory_space<hbm>>
        tpu.wait_dma2 semaphore(%run_scoped3A : memref<!tpu.dma_semaphore, #tpu.memory_space<semaphore_mem>>) src(%arg9 : memref<8x128xf32, #tpu.memory_space<vmem>>) dst(%dma_wait3A_42 : memref<8x128xf32, #tpu.memory_space<hbm>>)
        tpu.yield
      }) : () -> ()
    }
    %scan3A_17 = arith.constant 79 : i32
    return
  }
}

module attributes {stable_mosaic.version = 14 : i64} {
  func.func @_tc_body(%arg0: i32, %arg1: memref<2x1000x128xf32, #tpu.memory_space<vmem>>, %arg2: memref<2x1000x1xf32, #tpu.memory_space<vmem>>, %arg3: memref<1000x128xf32, #tpu.memory_space<vmem>>, %arg4: memref<128x128xf32, #tpu.memory_space<vmem>>, %arg5: memref<128x128xf32, #tpu.memory_space<vmem>>, %arg6: memref<1x128xf32, #tpu.memory_space<vmem>>, %arg7: memref<1000x128xf32, #tpu.memory_space<vmem>>) attributes {dimension_semantics = [#tpu.dimension_semantics<arbitrary>], iteration_bounds = array<i64: 10>, scalar_prefetch = 0 : i64, scratch_operands = 0 : i64, tpu.core_type = #tpu.core_type<tc>, window_params = [{transform_indices = @transform_0, window_bounds = array<i64: 2, 1000, 128>}, {transform_indices = @transform_1, window_bounds = array<i64: 2, 1000, 1>}, {transform_indices = @transform_2, window_bounds = array<i64: 1000, 128>}, {pipeline_mode = #tpu.pipeline_mode<synchronous>, transform_indices = @transform_3, window_bounds = array<i64: 128, 128>}, {pipeline_mode = #tpu.pipeline_mode<synchronous>, transform_indices = @transform_4, window_bounds = array<i64: 128, 128>}, {pipeline_mode = #tpu.pipeline_mode<synchronous>, transform_indices = @transform_5, window_bounds = array<i64: 1, 128>}, {transform_indices = @transform_6, window_bounds = array<i64: 1000, 128>}]} {
    %get3A = arith.constant 0 : index
    %get3A_0 = arith.constant 0 : index
    %get3A_1 = arith.constant 0 : index
    %get3A_2 = vector.load %arg1[%get3A, %get3A_0, %get3A_1] : memref<2x1000x128xf32, #tpu.memory_space<vmem>>, vector<1x1000x128xf32>
    %get3A_3 = vector.shape_cast %get3A_2 : vector<1x1000x128xf32> to vector<1000x128xf32>
    %get3A_4 = arith.constant 1 : index
    %get3A_5 = arith.constant 0 : index
    %get3A_6 = arith.constant 0 : index
    %get3A_7 = vector.load %arg1[%get3A_4, %get3A_5, %get3A_6] : memref<2x1000x128xf32, #tpu.memory_space<vmem>>, vector<1x1000x128xf32>
    %get3A_8 = vector.shape_cast %get3A_7 : vector<1x1000x128xf32> to vector<1000x128xf32>
    %add3A = arith.addf %get3A_3, %get3A_8 : vector<1000x128xf32>
    %get3A_9 = arith.constant 0 : index
    %get3A_10 = arith.constant 0 : index
    %get3A_11 = arith.constant 0 : index
    %get3A_12 = vector.load %arg2[%get3A_9, %get3A_10, %get3A_11] : memref<2x1000x1xf32, #tpu.memory_space<vmem>>, vector<1x1000x1xf32>
    %get3A_13 = vector.shape_cast %get3A_12 : vector<1x1000x1xf32> to vector<1000x1xf32>
    %get3A_14 = arith.constant 1 : index
    %get3A_15 = arith.constant 0 : index
    %get3A_16 = arith.constant 0 : index
    %get3A_17 = vector.load %arg2[%get3A_14, %get3A_15, %get3A_16] : memref<2x1000x1xf32, #tpu.memory_space<vmem>>, vector<1x1000x1xf32>
    %get3A_18 = vector.shape_cast %get3A_17 : vector<1x1000x1xf32> to vector<1000x1xf32>
    %add3A_19 = arith.addf %get3A_13, %get3A_18 : vector<1000x1xf32>
    %max3A = arith.constant 1.000000e+00 : f32
    %max3A_20 = vector.broadcast %max3A : f32 to vector<1000x1xf32>
    %max3A_21 = arith.maximumf %add3A_19, %max3A_20 : vector<1000x1xf32>
    %div3A = vector.broadcast %max3A_21 : vector<1000x1xf32> to vector<1000x128xf32>
    %div3A_22 = arith.divf %add3A, %div3A : vector<1000x128xf32>
    %get3A_23 = arith.constant 0 : index
    %get3A_24 = arith.constant 0 : index
    %get3A_25 = vector.load %arg4[%get3A_23, %get3A_24] : memref<128x128xf32, #tpu.memory_space<vmem>>, vector<128x128xf32>
    %dot_general3A = arith.constant dense<0.000000e+00> : vector<1000x128xf32>
    %dot_general3A_26 = tpu.matmul %div3A_22, %get3A_25, %dot_general3A {dimension_numbers = #tpu.dot_dimension_numbers<[1], [0], [0], [1], [0, 0, 1, 1], [], []>, precision = #tpu.contract_precision<fp32>, transpose_lhs_hint = false} : vector<1000x128xf32>, vector<128x128xf32>, vector<1000x128xf32> -> vector<1000x128xf32>
    %get3A_27 = arith.constant 0 : index
    %get3A_28 = arith.constant 0 : index
    %get3A_29 = vector.load %arg6[%get3A_27, %get3A_28] : memref<1x128xf32, #tpu.memory_space<vmem>>, vector<1x128xf32>
    %add3A_30 = vector.broadcast %get3A_29 : vector<1x128xf32> to vector<1000x128xf32>
    %add3A_31 = arith.addf %dot_general3A_26, %add3A_30 : vector<1000x128xf32>
    %get3A_32 = arith.constant 0 : index
    %get3A_33 = arith.constant 0 : index
    %get3A_34 = vector.load %arg3[%get3A_32, %get3A_33] : memref<1000x128xf32, #tpu.memory_space<vmem>>, vector<1000x128xf32>
    %get3A_35 = arith.constant 0 : index
    %get3A_36 = arith.constant 0 : index
    %get3A_37 = vector.load %arg5[%get3A_35, %get3A_36] : memref<128x128xf32, #tpu.memory_space<vmem>>, vector<128x128xf32>
    %dot_general3A_38 = arith.constant dense<0.000000e+00> : vector<1000x128xf32>
    %dot_general3A_39 = tpu.matmul %get3A_34, %get3A_37, %dot_general3A_38 {dimension_numbers = #tpu.dot_dimension_numbers<[1], [0], [0], [1], [0, 0, 1, 1], [], []>, precision = #tpu.contract_precision<fp32>, transpose_lhs_hint = false} : vector<1000x128xf32>, vector<128x128xf32>, vector<1000x128xf32> -> vector<1000x128xf32>
    %add3A_40 = arith.addf %add3A_31, %dot_general3A_39 : vector<1000x128xf32>
    %max3A_41 = arith.constant 0.000000e+00 : f32
    %max3A_42 = vector.broadcast %max3A_41 : f32 to vector<1000x128xf32>
    %max3A_43 = arith.maximumf %add3A_40, %max3A_42 : vector<1000x128xf32>
    %swap3A = arith.constant 0 : index
    %swap3A_44 = arith.constant 0 : index
    %swap3A_45 = vector.load %arg7[%swap3A, %swap3A_44] : memref<1000x128xf32, #tpu.memory_space<vmem>>, vector<1000x128xf32>
    tpu.vector_store %arg7[%swap3A, %swap3A_44], %max3A_43 {strides = array<i32>} : memref<1000x128xf32, #tpu.memory_space<vmem>>, vector<1000x128xf32>,
    return
  }
  func.func @transform_0(%arg0: i32) -> (i32, i32, i32) {
    %c0_i32 = arith.constant 0 : i32
    %c0_i32_0 = arith.constant 0 : i32
    %c0_i32_1 = arith.constant 0 : i32
    return %c0_i32, %arg0, %c0_i32_0 : i32, i32, i32
  }
  func.func @transform_1(%arg0: i32) -> (i32, i32, i32) {
    %c0_i32 = arith.constant 0 : i32
    %c0_i32_0 = arith.constant 0 : i32
    %c0_i32_1 = arith.constant 0 : i32
    return %c0_i32, %arg0, %c0_i32_0 : i32, i32, i32
  }
  func.func @transform_2(%arg0: i32) -> (i32, i32) {
    %c0_i32 = arith.constant 0 : i32
    %c0_i32_0 = arith.constant 0 : i32
    return %arg0, %c0_i32 : i32, i32
  }
  func.func @transform_3(%arg0: i32) -> (i32, i32) {
    %c0_i32 = arith.constant 0 : i32
    %c0_i32_0 = arith.constant 0 : i32
    %c0_i32_1 = arith.constant 0 : i32
    return %c0_i32, %c0_i32_0 : i32, i32
  }
  func.func @transform_4(%arg0: i32) -> (i32, i32) {
    %c0_i32 = arith.constant 0 : i32
    %c0_i32_0 = arith.constant 0 : i32
    %c0_i32_1 = arith.constant 0 : i32
    return %c0_i32, %c0_i32_0 : i32, i32
  }
  func.func @transform_5(%arg0: i32) -> (i32, i32) {
    %c0_i32 = arith.constant 0 : i32
    %c0_i32_0 = arith.constant 0 : i32
    %c0_i32_1 = arith.constant 0 : i32
    return %c0_i32, %c0_i32_0 : i32, i32
  }
  func.func @transform_6(%arg0: i32) -> (i32, i32) {
    %c0_i32 = arith.constant 0 : i32
    %c0_i32_0 = arith.constant 0 : i32
    return %arg0, %c0_i32 : i32, i32
  }
}

module attributes {stable_mosaic.version = 14 : i64} {
  func.func @_tc_body(%arg0: i32, %arg1: memref<2x1000x128xf32, #tpu.memory_space<vmem>>, %arg2: memref<2x1000x1xf32, #tpu.memory_space<vmem>>, %arg3: memref<1000x128xf32, #tpu.memory_space<vmem>>, %arg4: memref<128x128xf32, #tpu.memory_space<vmem>>, %arg5: memref<128x128xf32, #tpu.memory_space<vmem>>, %arg6: memref<1x128xf32, #tpu.memory_space<vmem>>, %arg7: memref<1000x128xf32, #tpu.memory_space<vmem>>) attributes {dimension_semantics = [#tpu.dimension_semantics<arbitrary>], iteration_bounds = array<i64: 10>, scalar_prefetch = 0 : i64, scratch_operands = 0 : i64, tpu.core_type = #tpu.core_type<tc>, window_params = [{transform_indices = @transform_0, window_bounds = array<i64: 2, 1000, 128>}, {transform_indices = @transform_1, window_bounds = array<i64: 2, 1000, 1>}, {transform_indices = @transform_2, window_bounds = array<i64: 1000, 128>}, {pipeline_mode = #tpu.pipeline_mode<synchronous>, transform_indices = @transform_3, window_bounds = array<i64: 128, 128>}, {pipeline_mode = #tpu.pipeline_mode<synchronous>, transform_indices = @transform_4, window_bounds = array<i64: 128, 128>}, {pipeline_mode = #tpu.pipeline_mode<synchronous>, transform_indices = @transform_5, window_bounds = array<i64: 1, 128>}, {transform_indices = @transform_6, window_bounds = array<i64: 1000, 128>}]} {
    %get3A = arith.constant 0 : index
    %get3A_0 = arith.constant 0 : index
    %get3A_1 = arith.constant 0 : index
    %get3A_2 = vector.load %arg1[%get3A, %get3A_0, %get3A_1] : memref<2x1000x128xf32, #tpu.memory_space<vmem>>, vector<1x1000x128xf32>
    %get3A_3 = vector.shape_cast %get3A_2 : vector<1x1000x128xf32> to vector<1000x128xf32>
    %get3A_4 = arith.constant 1 : index
    %get3A_5 = arith.constant 0 : index
    %get3A_6 = arith.constant 0 : index
    %get3A_7 = vector.load %arg1[%get3A_4, %get3A_5, %get3A_6] : memref<2x1000x128xf32, #tpu.memory_space<vmem>>, vector<1x1000x128xf32>
    %get3A_8 = vector.shape_cast %get3A_7 : vector<1x1000x128xf32> to vector<1000x128xf32>
    %add3A = arith.addf %get3A_3, %get3A_8 : vector<1000x128xf32>
    %get3A_9 = arith.constant 0 : index
    %get3A_10 = arith.constant 0 : index
    %get3A_11 = arith.constant 0 : index
    %get3A_12 = vector.load %arg2[%get3A_9, %get3A_10, %get3A_11] : memref<2x1000x1xf32, #tpu.memory_space<vmem>>, vector<1x1000x1xf32>
    %get3A_13 = vector.shape_cast %get3A_12 : vector<1x1000x1xf32> to vector<1000x1xf32>
    %get3A_14 = arith.constant 1 : index
    %get3A_15 = arith.constant 0 : index
    %get3A_16 = arith.constant 0 : index
    %get3A_17 = vector.load %arg2[%get3A_14, %get3A_15, %get3A_16] : memref<2x1000x1xf32, #tpu.memory_space<vmem>>, vector<1x1000x1xf32>
    %get3A_18 = vector.shape_cast %get3A_17 : vector<1x1000x1xf32> to vector<1000x1xf32>
    %add3A_19 = arith.addf %get3A_13, %get3A_18 : vector<1000x1xf32>
    %max3A = arith.constant 1.000000e+00 : f32
    %max3A_20 = vector.broadcast %max3A : f32 to vector<1000x1xf32>
    %max3A_21 = arith.maximumf %add3A_19, %max3A_20 : vector<1000x1xf32>
    %div3A = vector.broadcast %max3A_21 : vector<1000x1xf32> to vector<1000x128xf32>
    %div3A_22 = arith.divf %add3A, %div3A : vector<1000x128xf32>
    %get3A_23 = arith.constant 0 : index
    %get3A_24 = arith.constant 0 : index
    %get3A_25 = vector.load %arg4[%get3A_23, %get3A_24] : memref<128x128xf32, #tpu.memory_space<vmem>>, vector<128x128xf32>
    %dot_general3A = arith.constant dense<0.000000e+00> : vector<1000x128xf32>
    %dot_general3A_26 = tpu.matmul %div3A_22, %get3A_25, %dot_general3A {dimension_numbers = #tpu.dot_dimension_numbers<[1], [0], [0], [1], [0, 0, 1, 1], [], []>, precision = #tpu.contract_precision<fp32>, transpose_lhs_hint = false} : vector<1000x128xf32>, vector<128x128xf32>, vector<1000x128xf32> -> vector<1000x128xf32>
    %get3A_27 = arith.constant 0 : index
    %get3A_28 = arith.constant 0 : index
    %get3A_29 = vector.load %arg6[%get3A_27, %get3A_28] : memref<1x128xf32, #tpu.memory_space<vmem>>, vector<1x128xf32>
    %add3A_30 = vector.broadcast %get3A_29 : vector<1x128xf32> to vector<1000x128xf32>
    %add3A_31 = arith.addf %dot_general3A_26, %add3A_30 : vector<1000x128xf32>
    %get3A_32 = arith.constant 0 : index
    %get3A_33 = arith.constant 0 : index
    %get3A_34 = vector.load %arg3[%get3A_32, %get3A_33] : memref<1000x128xf32, #tpu.memory_space<vmem>>, vector<1000x128xf32>
    %get3A_35 = arith.constant 0 : index
    %get3A_36 = arith.constant 0 : index
    %get3A_37 = vector.load %arg5[%get3A_35, %get3A_36] : memref<128x128xf32, #tpu.memory_space<vmem>>, vector<128x128xf32>
    %dot_general3A_38 = arith.constant dense<0.000000e+00> : vector<1000x128xf32>
    %dot_general3A_39 = tpu.matmul %get3A_34, %get3A_37, %dot_general3A_38 {dimension_numbers = #tpu.dot_dimension_numbers<[1], [0], [0], [1], [0, 0, 1, 1], [], []>, precision = #tpu.contract_precision<fp32>, transpose_lhs_hint = false} : vector<1000x128xf32>, vector<128x128xf32>, vector<1000x128xf32> -> vector<1000x128xf32>
    %add3A_40 = arith.addf %add3A_31, %dot_general3A_39 : vector<1000x128xf32>
    %swap3A = arith.constant 0 : index
    %swap3A_41 = arith.constant 0 : index
    %swap3A_42 = vector.load %arg7[%swap3A, %swap3A_41] : memref<1000x128xf32, #tpu.memory_space<vmem>>, vector<1000x128xf32>
    tpu.vector_store %arg7[%swap3A, %swap3A_41], %add3A_40 {strides = array<i32>} : memref<1000x128xf32, #tpu.memory_space<vmem>>, vector<1000x128xf32>,
    return
  }
  func.func @transform_0(%arg0: i32) -> (i32, i32, i32) {
    %c0_i32 = arith.constant 0 : i32
    %c0_i32_0 = arith.constant 0 : i32
    %c0_i32_1 = arith.constant 0 : i32
    return %c0_i32, %arg0, %c0_i32_0 : i32, i32, i32
  }
  func.func @transform_1(%arg0: i32) -> (i32, i32, i32) {
    %c0_i32 = arith.constant 0 : i32
    %c0_i32_0 = arith.constant 0 : i32
    %c0_i32_1 = arith.constant 0 : i32
    return %c0_i32, %arg0, %c0_i32_0 : i32, i32, i32
  }
  func.func @transform_2(%arg0: i32) -> (i32, i32) {
    %c0_i32 = arith.constant 0 : i32
    %c0_i32_0 = arith.constant 0 : i32
    return %arg0, %c0_i32 : i32, i32
  }
  func.func @transform_3(%arg0: i32) -> (i32, i32) {
    %c0_i32 = arith.constant 0 : i32
    %c0_i32_0 = arith.constant 0 : i32
    %c0_i32_1 = arith.constant 0 : i32
    return %c0_i32, %c0_i32_0 : i32, i32
  }
  func.func @transform_4(%arg0: i32) -> (i32, i32) {
    %c0_i32 = arith.constant 0 : i32
    %c0_i32_0 = arith.constant 0 : i32
    %c0_i32_1 = arith.constant 0 : i32
    return %c0_i32, %c0_i32_0 : i32, i32
  }
  func.func @transform_5(%arg0: i32) -> (i32, i32) {
    %c0_i32 = arith.constant 0 : i32
    %c0_i32_0 = arith.constant 0 : i32
    %c0_i32_1 = arith.constant 0 : i32
    return %c0_i32, %c0_i32_0 : i32, i32
  }
  func.func @transform_6(%arg0: i32) -> (i32, i32) {
    %c0_i32 = arith.constant 0 : i32
    %c0_i32_0 = arith.constant 0 : i32
    return %arg0, %c0_i32 : i32, i32
  }
}

</mosaic_0001>

<sc_bundles>
// kernel: kernel.10.cloned.1.call-start
scs
__scs_entry_jumppad:
0x0: {  	(pc) =	sbr.rel $0x88, $3  }
0x1: {  	(tag) =	ssettag $0x0;
	lr =	simm.s32 $0x1  }
0x2: {  	[smem:$0x3F99] =	sst lr;
	_ =	strace $0xD0000000  }
0x3: {  	_ = 	snop  }
0x4: {  	_ = 	snop  }
0x5: {  	_ = 	snop  }
0x6: {  	_ = 	snop  }
0x7: {  	_ = 	snop  }
__scs_overlays_trampoline_lowered:
0x8: {  	[smem:$0x3FA8] =	sst s0  }
0x9: {  	[smem:$0x3FA9] =	sst s1  }
0xa: {  	[smem:$0x3FAA] =	sst s2  }
0xb: {  	[smem:$0x3FAB] =	sst s3  }
0xc: {  	[smem:$0x3FAC] =	sst s4  }
0xd: {  	[smem:$0x3FAD] =	sst s5  }
0xe: {  	[smem:$0x3FAE] =	sst s6  }
0xf: {  	[smem:$0x3FAF] =	sst s7  }
0x10: {  	[smem:$0x3FB0] =	sst s8  }
0x11: {  	[smem:$0x3FB1] =	sst s9;
	s0 =	simm.s32 @!p0 $0x0  }
0x12: {  	s1 =	sld [smem:$0x3F97];
	s0 =	simm.s32 @p0 $0x1  }
0x13: {  	[smem:$0x3FB2] =	sst s0;
	s0 =	simm.s32 @!p1 $0x0  }
0x14: {  	s2 =	sld [smem:$0x3F96];
	s0 =	simm.s32 @p1 $0x1  }
0x15: {  	[smem:$0x3FB3] =	sst s0;
	s0 =	simm.s32 @!p2 $0x0  }
0x16: {  	s3 =	sld [smem:$0x3FDB];
	s0 =	simm.s32 @p2 $0x1  }
0x17: {  	s4 =	simm.s32 $0x1BF5;
	[smem:$0x3FB5] =	sst s0  }
0x18: {  	s0 =	sld [smem:$0x3F98];
	_ =	swait.ge [sflag:s4], $0x0  }
0x19: {  	s7 =	sld [smem:$0x3F99]  }
0x1a: {  	s8 =	sadd.s32 $0xFFFFE003, lr  }
0x1b: {  	s9 =	sadd.s32 $0xFFFFFEF7, lr;
	s5 =	simm.s32 $0xFFFFFFFF;
	p2 =	slt.u32 s8, $0xFFFFF086  }
0x1c: {  	p1 =	slt.u32 s9, $0xF7A;
	s5 =	simm.s32 @!p2 $0x0  }
0x1d: {  	s5 =	simm.s32 @p1 $0x1;
	p0 =	seq.s32 s7, s2  }
0x1e: {  	s7 =	smul.u32 @!p0 $0xF7A, s2;
	p2 =	seq.s32 @!p0 s5, $0x0  }
0x1f: {  	s9 =	smul.u32 $0xF7A, s1;
	s8 =	simm.s32 @!p0 $0x1BF5;
	p2 =	por !p2, p0  }
0x20: {  	[sflag:s8] =	ssyncset.s32 @!p0 $0xFFFFF086;
	s6 =	sadd.s32 @!p0 s3, s7;
	s7 =	simm.s32 @!p0 $0x108  }
0x21: {  	s3 =	sadd.s32 s3, s9;
	s6 =	sadd.s32 @!p0 $0x88, s6;
	s7 =	simm.s32 @p2 $0x1082  }
0x22: {  	[simem:s7], [sflag:s8] =	dma.local @!p0 [hbm:s6], $0xF7A  }
0x23: {  	s9 =	sor.u32 $0xD0000000, s2;
	s6 =	simm.s32 $0x108;
	_ =	swait.ge @!p0 [sflag:s8], $0x0  }
0x24: {  	s3 =	sadd.s32 $0x88, s3;
	s6 =	simm.s32 @!p1 $0x1082;
	[sflag:s4] =	ssyncset.s32 $0xFFFFF086  }
0x25: {  	[simem:s6], [sflag:s4] =	dma.local [hbm:s3], $0xF7A  }
0x26: {  	[smem:$0x3F99] =	sst s1;
	(tag) =	ssettag s2;
	_ =	strace s9  }
0x27: {  	s1 =	sld [smem:$0x3FA9]  }
0x28: {  	s2 =	sld [smem:$0x3FAA]  }
0x29: {  	s4 =	sld [smem:$0x3FAC]  }
0x2a: {  	p0 =	seq.s32 s5, $0x0;
	s5 =	sld [smem:$0x3FAD]  }
0x2b: {  	s6 =	sld [smem:$0x3FAE]  }
0x2c: {  	s7 =	sld [smem:$0x3FAF]  }
0x2d: {  	s3 =	simm.s32 $0x108;
	s8 =	sld [smem:$0x3FB0]  }
0x2e: {  	s3 =	simm.s32 @!p0 $0x1082;
	s9 =	sld [smem:$0x3FB1]  }
0x2f: {  	lr =	sadd.s32 s0, s3;
	s0 =	sld [smem:$0x3FA8]  }
0x30: {  	s3 =	sld [smem:$0x3FAB]  }
0x31: {  	[smem:$0x3FB4] =	sst s10  }
0x32: {  	s10 =	sld [smem:$0x3FB2];
	_ =	sdelay $0x3  }
0x33: {  	p0 =	seq.s32 s10, $0x1;
	s10 =	sld [smem:$0x3FB4];
	_ =	sdelay $0x3  }
0x34: {  	[smem:$0x3FB4] =	sst s10  }
0x35: {  	s10 =	sld [smem:$0x3FB3];
	_ =	sdelay $0x3  }
0x36: {  	p1 =	seq.s32 s10, $0x1;
	s10 =	sld [smem:$0x3FB4];
	_ =	sdelay $0x3  }
0x37: {  	[smem:$0x3FB4] =	sst s10  }
0x38: {  	s10 =	sld [smem:$0x3FB5]  }
0x39: {  	_ = 	snop;
	(pc) =	sbr.ind lr, $3  }
0x3a: {  	_ = 	snop  }
0x3b: {  	_ = 	snop  }
0x3c: {  	p2 =	seq.s32 s10, $0x1;
	s10 =	sld [smem:$0x3FB4]  }
0x3d: {  	_ =	shalt  }
0x3e: {  	_ =	shalt  }
0x3f: {  	_ =	shalt  }
0x40: {  	_ =	shalt  }
0x41: {  	_ =	shalt  }
0x42: {  	_ =	shalt  }
0x43: {  	_ =	shalt  }
0x44: {  	_ =	shalt  }
0x45: {  	_ =	shalt  }
0x46: {  	_ =	shalt  }
0x47: {  	_ =	shalt  }
0x48: {  	_ =	shalt  }
0x49: {  	_ =	shalt  }
0x4a: {  	_ =	shalt  }
0x4b: {  	_ =	shalt  }
0x4c: {  	_ =	shalt  }
0x4d: {  	_ =	shalt  }
0x4e: {  	_ =	shalt  }
0x4f: {  	_ =	shalt  }
0x50: {  	_ =	shalt  }
0x51: {  	_ =	shalt  }
0x52: {  	_ =	shalt  }
0x53: {  	_ =	shalt  }
0x54: {  	_ =	shalt  }
0x55: {  	_ =	shalt  }
0x56: {  	_ =	shalt  }
0x57: {  	_ =	shalt  }
0x58: {  	_ =	shalt  }
0x59: {  	_ =	shalt  }
0x5a: {  	_ =	shalt  }
0x5b: {  	_ =	shalt  }
0x5c: {  	_ =	shalt  }
0x5d: {  	_ =	shalt  }
0x5e: {  	_ =	shalt  }
0x5f: {  	_ =	shalt  }
0x60: {  	_ =	shalt  }
0x61: {  	_ =	shalt  }
0x62: {  	_ =	shalt  }
0x63: {  	_ =	shalt  }
0x64: {  	_ =	shalt  }
0x65: {  	_ =	shalt  }
0x66: {  	_ =	shalt  }
0x67: {  	_ =	shalt  }
0x68: {  	_ =	shalt  }
0x69: {  	_ =	shalt  }
0x6a: {  	_ =	shalt  }
0x6b: {  	_ =	shalt  }
0x6c: {  	_ =	shalt  }
0x6d: {  	_ =	shalt  }
0x6e: {  	_ =	shalt  }
0x6f: {  	_ =	shalt  }
0x70: {  	_ =	shalt  }
0x71: {  	_ =	shalt  }
0x72: {  	_ =	shalt  }
0x73: {  	_ =	shalt  }
0x74: {  	_ =	shalt  }
0x75: {  	_ =	shalt  }
0x76: {  	_ =	shalt  }
0x77: {  	_ =	shalt  }
0x78: {  	_ =	shalt  }
0x79: {  	_ =	shalt  }
0x7a: {  	_ =	shalt  }
0x7b: {  	_ =	shalt  }
0x7c: {  	_ =	shalt  }
0x7d: {  	_ =	shalt  }
0x7e: {  	_ =	shalt  }
0x7f: {  	_ =	shalt  }
0x80: {  	_ =	shalt  }
0x81: {  	_ =	shalt  }
0x82: {  	_ =	shalt  }
0x83: {  	_ =	shalt  }
0x84: {  	_ =	shalt  }
0x85: {  	_ =	shalt  }
0x86: {  	_ =	shalt  }
0x87: {  	_ =	shalt  }
.Lfunc_end0:
.L_simem_size_0:
called_computation.1_lowered:
.L_overlay_start_0:
0x88: {  	s2 =	sld [smem:$0x3FD9]  }
0x89: {  	s3 =	sld [smem:$0x3FFE];
	_ =	sdelay $0x1  }
0x8a: {  	s1 =	srdreg.scid  }
0x8b: {  	s0 =	sand.u32 $0x1, s1  }
0x8c: {  	s17 =	sshll.u32 s0, $0xA;
	s2 =	sadd.s32 s3, s2  }
0x8d: {  	s2 =	sadd.s32 s2, s17  }
0x8e: {  	[smem:$0x3FC0] =	sst s2  }
0x8f: {  	_ = 	snop  }
0x90: {  	s2 =	sld [smem:$0x3FC9];
	(tm) =	ssettm $0x1  }
0x91: {  	s18 =	sld [smem:$0x3FFB];
	_ =	sdelay $0x3  }
0x92: {  	_ =	strace s18  }
0x93: {  	s3 =	sld [smem:$0x3FFC];
	_ =	sdelay $0x3  }
0x94: {  	_ =	strace s3  }
0x95: {  	s3 =	sld [smem:$0x3FFD];
	_ =	sdelay $0x3  }
0x96: {  	_ =	strace s3  }
0x97: {  	_ =	strace $0x8FFFFFFF  }
0x98: {  	s19 =	sld [smem:$0x3FDB];
	_ =	sdelay $0x1  }
0x99: {  	s4 =	simm.s32 $_scs_section_size  }
0x9a: {  	s5 =	simm.s32 $_size__tile_overlayer_lowered;
	s6 =	simm.s32 $_tile_overlayer_lowered  }
0x9b: {  	s22 =	simm.s32 $0x1BFF;
	s21 =	sshll.u32 s6, $0x1;
	s3 =	sadd.s32 s4, s19  }
0x9c: {  	s7 =	simm.s32 $0x0;
	s20 =	sshll.u32 s5, $0x1;
	s5 =	sadd.s32 s21, s3  }
0x9d: {  	[timem:s7], [sflag:s22] =	dma.local [hbm:s5], s20  }
0x9e: {  	_ =	swait.ge [sflag:s22], s20  }
0x9f: {  	s4 =	ssub.s32 $0x0, s20;
	[sflag:s22] =	ssyncset.done $0x0  }
0xa0: {  	[sflag:s22] =	ssyncadd.s32 s4;
	_ =	sdelay $0x1  }
0xa1: {  	s23 =	simm.s32 $0x1B8B  }
0xa2: {  	_ =	swait.ge [sflag:s23], $0x1  }
0xa3: {  	[sflag:s23] =	ssyncset.done $0x0  }
0xa4: {  	s25 =	simm.s32 $0x1B8E;
	s24 =	sld [smem:$0x3FFE];
	[sflag:s23] =	ssyncadd.s32 $0xFFFFFFFF  }
0xa5: {  	s26 =	simm.s32 $execute0_lowered;
	[smem:$0x3FD2] =	sst s25  }
0xa6: {  	s5 =	sshll.u32 s26, $0x1;
	_ =	strace $0x80000046;
	[dreg:$0x1] =	wrdreg $0xFFFFFFFF  }
0xa7: {  	s28 =	simm.s32 $_size_execute0_lowered;
	s3 =	sadd.s32 s3, s5;
	[dreg:$0x0] =	wrdreg $0x0  }
0xa8: {  	s5 =	sshll.u32 s28, $0x1;
	[dreg:$0x2] =	wrdreg s3  }
0xa9: {  	[dreg:$0x3] =	wrdreg s5  }
0xaa: {  	[dreg:$0x4] =	wrdreg $0xC0  }
0xab: {  	_ =	task [dreg:s7], $0x5FFFF  }
0xac: {  	[dreg:$0x1] =	wrdreg $0xFFFFFFFF  }
0xad: {  	[dreg:$0x0] =	wrdreg $0x60  }
0xae: {  	[dreg:$0x2] =	wrdreg s2  }
0xaf: {  	[dreg:$0x3] =	wrdreg s24  }
0xb0: {  	[dreg:$0x4] =	wrdreg $0x49000  }
0xb1: {  	[dreg:$0x5] =	wrdreg $0xA  }
0xb2: {  	_ =	task.clear_ibuf [dreg:s7], $0x6FFFF;
	_ =	strace $0x90000046  }
0xb3: {  	s29 =	simm.s32 $0xA;
	_ =	strace $0x80000048  }
0xb4: {  	_ =	swait.ge [sflag:s29], $0x1  }
0xb5: {  	[sflag:s29] =	ssyncadd.s32 $0xFFFFFFFF  }
0xb6: {  	_ =	strace $0x90000048  }
0xb7: {  	_ =	sfence  }
0xb8: {  	s30 =	sld [smem:$0x0];
	_ =	sdelay $0x2  }
0xb9: {  	s31 =	sshll.u32 s1, $0xD;
	s1 =	sshrl.u32 s1, $0x2  }
0xba: {  	s3 =	sand.u32 $0x4000, s31;
	s1 =	sadd.s32 s1, s30  }
0xbb: {  	s0 =	sor.u32 s3, s0;
	s1 =	sshll.u32 s1, $0x11  }
0xbc: {  	s0 =	sor.u32 s1, s0  }
0xbd: {  	s0 =	sadd.s32 $0x8F2B, s0  }
0xbe: {  	[sflag:s0] =	ssyncadd.remote.s32 $0x1  }
0xbf: {  	_ =	sfence.sel $0xFFFF  }
0xc0: {  	[dreg:$0x0] =	wrdreg $0xFFFFFFFF;
	(pc) =	sbr.abs _section_cstart, $3  }
0xc1: {  	[dreg:$0x1] =	wrdreg $0xFFFFFFFF  }
0xc2: {  	_ =	task.clear_ibuf [dreg:s7], $0x2FFFF;
	_ =	strace $0x9FFFFFFF  }
0xc3: {  	(tm) =	ssettm $0x7FFFFFFF  }
tec
execute0_lowered:
.L_overlay_start_1:
0x0: {  	(tag) =	ssettag $0x1  }
0x1: {  	s2 =	rddreg [dreg:$0x0]  }
0x2: {  	s6 =	rddreg [dreg:$0x1]  }
0x3: {  	s3 =	rddreg [dreg:$0x2]  }
0x4: {  	s0 =	stileid.u32;
	s4 =	srdreg.scid  }
0x5: {  	s1 =	rddreg [dreg:$0x3];
	s13 =	simm.s32 $0x2;
	s5 =	smul.u32 $0x61, s0  }
0x6: {  	s14 =	simm.s32 $0x4500;
	s15 =	simm.s32 $0x0;
	s8 =	smul.u32 $0x3D, s0  }
0x7: {  	s7 =	sand.u32 $0x1, s4;
	s4 =	simm.s32 $0x0;
	s9 =	smul.u32 $0x4F000, s0  }
0x8: {  	s12 =	smul.u32 $0x2780, s0;
	p0 =	seq.s32 s7, $0x0;
	[smem:$0x7FF] =	sst s4  }
0x9: {  	s30 =	smul.u32 $0x27800, s7;
	s7 =	ssub.s32 $0x2, s7;
	s5 =	sadd.s32 $0x3D0, s5  }
0xa: {  	_ =	strace $0x80000047;
	s31 =	sshrl.u32 s7, $0x1;
	s9 =	sshrl.u32 s9, $0x2  }
0xb: {  	s5 =	smov.u32 @p0 s8;
	s11 =	sadd.s32 s30, s6;
	s8 =	ssub.s32 s7, s31  }
0xc: {  	s7 =	sadd.s32 s9, s3;
	s5 =	sshll.u32 s5, $0x4;
	s8 =	smax.u32 s8, $0x1  }
0xd: {  	s11 =	sadd.s32 s12, s11;
	s12 =	simm.s32 $0x4100;
	s10 =	sadd.s32 s5, s6  }
0xe: {  	s5 =	sadd.s32 $0x15E00, s6;
	s6 =	simm.s32 $0x3D;
	s11 =	sadd.s32 $0x16000, s11  }
0xf: {  	s6 =	simm.s32 @!p0 $0x61;
	s9 =	sadd.s32 $0xC000, s10;
	s10 =	sadd.s32 $0x2200, s10  }
.LBB2_1:
0x10: {  	[tilespmem:s12], [sflag:$0x2] =	stream.linear.gather [hbm4b:s5+s4], $0x400, $0x38;
	[tilespmem:$0x18500] =	vst v63  }
0x11: {  	_ =	swait.ge [sflag:s13], $0x400  }
0x12: {  	[sflag:s13] =	ssyncset.done $0x0  }
0x13: {  	s16 =	sadd.s32 $0x0, s7;
	[sflag:s13] =	ssyncadd.s32 $0xFFFFFC00  }
0x14: {  	[spmem:s16] =	stream.linear.scatter [tilespmem:s12], [sflag:$0x2], $0x400, $0x38;
	[tilespmem:$0x18500] =	vst v63  }
0x15: {  	s16 =	simm.s32 $0x1000;
	_ =	swait.ge [sflag:s13], $0x400  }
.LBB2_2:
0x16: {  	s17 =	sshra.s32 s16, $0x2;
	[sflag:s13] =	ssyncset.done $0x0;
	p0 =	sne.s32 s16, $0x4E000  }
.Ltmp0:
0x17: {  	s17 =	sadd.s32 s17, s7;
	[sflag:s13] =	ssyncadd.s32 $0xFFFFFC00;
	(pc) =	sbr.rel @p0 .LBB2_2-.Ltmp0, $3  }
0x18: {  	[spmem:s17] =	stream.linear.scatter [tilespmem:s12], [sflag:$0x2], $0x400, $0x38;
	[tilespmem:$0x18500] =	vst v63  }
0x19: {  	s16 =	sadd.s32 $0x1000, s16;
	_ =	sdelay $0x1  }
0x1a: {  	_ =	swait.ge [sflag:s13], $0x400  }
0x1b: {  	[sflag:s13] =	ssyncset.done $0x0  }
0x1c: {  	p0 =	sle.u32 s6, $0x0;
	[sflag:s13] =	ssyncadd.s32 $0xFFFFFC00  }
0x1d: {  	s16 =	simm.s32 @!p0 $0x0;
	s17 =	simm.s32 @!p0 $0x3;
	[bflag:$0x0] =	sbarrier.arrive $0xFFFF  }
0x1e: {  	[tilespmem:s16], [sflag:$0x3] =	stream.linear.gather @!p0 [hbm4b:s9+s16], $0x80, $0x38;
	[tilespmem:$0x18500] =	vst v63  }
0x1f: {  	_ =	swait.ge @!p0 [sflag:s17], $0x80  }
0x20: {  	[sflag:s17] =	ssyncset.done @!p0 $0x0;
	p0 =	por p0, p0  }
0x21: {  	[sflag:s17] =	ssyncadd.s32 @!p0 $0xFFFFFF80;
	s18 =	simm.s32 @!p0 $0x80  }
0x22: {  	[tilespmem:s18], [sflag:$0x3] =	stream.linear.gather @!p0 [hbm4b:s10+s16], $0x80, $0x38;
	[tilespmem:$0x18500] =	vst v63  }
0x23: {  	_ =	swait.ge @!p0 [sflag:s17], $0x80  }
0x24: {  	[sflag:s17] =	ssyncset.done @!p0 $0x0  }
0x25: {  	s19 =	simm.s32 @!p0 $0x1;
	[sflag:s17] =	ssyncadd.s32 @!p0 $0xFFFFFF80;
	s17 =	simm.s32 @!p0 $0x100  }
0x26: {  	[tilespmem:s17], [sflag:$0x1] =	stream.indirect.gather @!p0 [hbm4b:s2+s18], $0x80, s16, s18, $0xb8;
	[tilespmem:$0x18500] =	vst v63  }
0x27: {  	_ =	swait.ge @!p0 [sflag:s19], $0x4000  }
0x28: {  	[sflag:s19] =	ssyncset.done @!p0 $0x0  }
0x29: {  	[sflag:s19] =	ssyncadd.s32 @!p0 $0xFFFFC000;
	s19 =	simm.s32 @!p0 $0x2  }
0x2a: {  	[spmem:s3] =	stream.indirect.scatter.add.f32 @!p0 [tilespmem:s17], [sflag:$0x2], $0x80, s18, s18, $0xb8;
	[tilespmem:$0x18500] =	vst v63  }
0x2b: {  	p2 =	sle.u32 s6, $0x1;
	s16 =	sadd.s32 $0x10, s10;
	_ =	swait.ge @!p0 [sflag:s19], $0x4000  }
0x2c: {  	s17 =	simm.s32 $0x2;
	s18 =	sadd.s32 $0x10, s9;
	[sflag:s19] =	ssyncset.done @!p0 $0x0  }
.LBB2_4:
0x2d: {  	s20 =	simm.s32 @!p2 $0x0;
	s21 =	simm.s32 @!p2 $0x3;
	[sflag:s19] =	ssyncadd.s32 @!p0 $0xFFFFC000  }
0x2e: {  	[tilespmem:s20], [sflag:$0x3] =	stream.linear.gather @!p2 [hbm4b:s18+s20], $0x80, $0x38;
	[tilespmem:$0x18500] =	vst v63  }
0x2f: {  	s22 =	smov.u32 s17;
	s17 =	sadd.s32 $0x1, s17;
	_ =	swait.ge @!p2 [sflag:s21], $0x80  }
0x30: {  	p0 =	por p2, p2;
	p1 =	sne.s32 s17, $0x61;
	[sflag:s21] =	ssyncset.done @!p2 $0x0  }
0x31: {  	s23 =	simm.s32 @!p0 $0x80;
	[sflag:s21] =	ssyncadd.s32 @!p0 $0xFFFFFF80  }
0x32: {  	[tilespmem:s23], [sflag:$0x3] =	stream.linear.gather @!p0 [hbm4b:s16+s20], $0x80, $0x38;
	[tilespmem:$0x18500] =	vst v63  }
0x33: {  	_ =	swait.ge @!p0 [sflag:s21], $0x80  }
0x34: {  	[sflag:s21] =	ssyncset.done @!p0 $0x0  }
0x35: {  	s19 =	simm.s32 @!p0 $0x1;
	[sflag:s21] =	ssyncadd.s32 @!p0 $0xFFFFFF80;
	s21 =	simm.s32 @!p0 $0x100  }
0x36: {  	[tilespmem:s21], [sflag:$0x1] =	stream.indirect.gather @!p0 [hbm4b:s2+s23], $0x80, s20, s23, $0xb8;
	[tilespmem:$0x18500] =	vst v63  }
0x37: {  	_ =	swait.ge @!p0 [sflag:s19], $0x4000  }
.Ltmp1:
0x38: {  	[sflag:s19] =	ssyncset.done @!p0 $0x0;
	(pc) =	sbr.rel @p1 .LBB2_4-.Ltmp1, $4  }
0x39: {  	[sflag:s19] =	ssyncadd.s32 @!p0 $0xFFFFC000;
	s19 =	simm.s32 @!p0 $0x2  }
0x3a: {  	[spmem:s3] =	stream.indirect.scatter.add.f32 @!p0 [tilespmem:s21], [sflag:$0x2], $0x80, s23, s23, $0xb8;
	[tilespmem:$0x18500] =	vst v63  }
0x3b: {  	s16 =	sadd.s32 $0x10, s16;
	_ =	swait.ge @!p0 [sflag:s19], $0x4000  }
0x3c: {  	s18 =	sadd.s32 $0x10, s18;
	p2 =	sge.u32 s22, s6;
	[sflag:s19] =	ssyncset.done @!p0 $0x0  }
0x3d: {  	s17 =	simm.s32 @!p2 $0x0;
	s20 =	simm.s32 @!p2 $0x3;
	[sflag:s19] =	ssyncadd.s32 @!p0 $0xFFFFC000  }
0x3e: {  	[tilespmem:s17], [sflag:$0x3] =	stream.linear.gather @!p2 [hbm4b:s18+s17], $0x80, $0x38;
	[tilespmem:$0x18500] =	vst v63  }
0x3f: {  	_ =	swait.ge @!p2 [sflag:s20], $0x80  }
0x40: {  	p0 =	por p2, p2;
	[sflag:s20] =	ssyncset.done @!p2 $0x0  }
0x41: {  	s18 =	simm.s32 @!p0 $0x80;
	[sflag:s20] =	ssyncadd.s32 @!p0 $0xFFFFFF80  }
0x42: {  	[tilespmem:s18], [sflag:$0x3] =	stream.linear.gather @!p0 [hbm4b:s16+s17], $0x80, $0x38;
	[tilespmem:$0x18500] =	vst v63  }
0x43: {  	_ =	swait.ge @!p0 [sflag:s20], $0x80  }
0x44: {  	[sflag:s20] =	ssyncset.done @!p0 $0x0  }
0x45: {  	s19 =	simm.s32 @!p0 $0x1;
	s16 =	simm.s32 @!p0 $0x100;
	[sflag:s20] =	ssyncadd.s32 @!p0 $0xFFFFFF80  }
0x46: {  	[tilespmem:s16], [sflag:$0x1] =	stream.indirect.gather @!p0 [hbm4b:s2+s18], $0x80, s17, s18, $0xb8;
	[tilespmem:$0x18500] =	vst v63  }
0x47: {  	_ =	swait.ge @!p0 [sflag:s19], $0x4000  }
0x48: {  	[sflag:s19] =	ssyncset.done @!p0 $0x0  }
0x49: {  	s17 =	simm.s32 @!p0 $0x2;
	[sflag:s19] =	ssyncadd.s32 @!p0 $0xFFFFC000  }
0x4a: {  	[spmem:s3] =	stream.indirect.scatter.add.f32 @!p0 [tilespmem:s16], [sflag:$0x2], $0x80, s18, s18, $0xb8;
	[tilespmem:$0x18500] =	vst v63  }
0x4b: {  	_ =	swait.ge @!p0 [sflag:s17], $0x4000  }
0x4c: {  	[sflag:s17] =	ssyncset.done @!p0 $0x0  }
0x4d: {  	[sflag:s17] =	ssyncadd.s32 @!p0 $0xFFFFC000  }
0x4e: {  	[bflag:$0x0] =	sbarrier.arrive $0xFFFF  }
0x4f: {  	[tilespmem:s14], [sflag:$0x2] =	stream.linear.gather [spmem:s7], $0x400, $0x38;
	[tilespmem:$0x18500] =	vst v63  }
0x50: {  	_ =	swait.ge [sflag:s13], $0x400  }
0x51: {  	[sflag:s13] =	ssyncset.done $0x0  }
0x52: {  	s31 =	sadd.s32 $0x0, s11;
	[sflag:s13] =	ssyncadd.s32 $0xFFFFFC00  }
0x53: {  	[hbm4b:s31+s4] =	stream.linear.scatter [tilespmem:s14], [sflag:$0x2], $0x400, $0x38;
	[tilespmem:$0x18500] =	vst v63  }
0x54: {  	_ =	swait.ge [sflag:s13], $0x400  }
0x55: {  	s16 =	simm.s32 $0x80;
	s17 =	smov.u32 s7;
	[sflag:s13] =	ssyncset.done $0x0  }
.LBB2_6:
0x56: {  	p0 =	sne.s32 s16, $0x2700;
	[sflag:s13] =	ssyncadd.s32 $0xFFFFFC00;
	s17 =	sadd.s32 $0x400, s17  }
0x57: {  	[tilespmem:s14], [sflag:$0x2] =	stream.linear.gather [spmem:s17], $0x400, $0x38;
	[tilespmem:$0x18500] =	vst v63  }
0x58: {  	s18 =	smov.u32 s16;
	s16 =	sadd.s32 $0x80, s16;
	_ =	swait.ge [sflag:s13], $0x400  }
.Ltmp2:
0x59: {  	[sflag:s13] =	ssyncset.done $0x0;
	(pc) =	sbr.rel @p0 .LBB2_6-.Ltmp2, $4  }
0x5a: {  	s18 =	sadd.s32 s18, s11;
	[sflag:s13] =	ssyncadd.s32 $0xFFFFFC00  }
0x5b: {  	[hbm4b:s18+s4] =	stream.linear.scatter [tilespmem:s14], [sflag:$0x2], $0x400, $0x38;
	[tilespmem:$0x18500] =	vst v63  }
0x5c: {  	_ =	swait.ge [sflag:s13], $0x400  }
0x5d: {  	[sflag:s13] =	ssyncset.done $0x0  }
0x5e: {  	s15 =	sadd.s32 $0x1, s15  }
0x5f: {  	p0 =	sne.s32 s15, s8  }
.Ltmp3:
0x60: {  	_ = 	snop;
	(pc) =	sbr.rel @p0 .LBB2_1-.Ltmp3, $2  }
0x61: {  	_ =	sdelay $0x2  }
0x62: {  	[sflag:s13] =	ssyncadd.s32 $0xFFFFFC00  }
0x63: {  	_ =	sfence.sel $0x180000  }
0x64: {  	[bflag:$0x0] =	sbarrier.arrive $0xFFFF  }
0x65: {  	p0 =	sne.s32 s0, $0x0;
	_ =	strace $0x90000047  }
0x66: {  	s0 =	sadd.s32 @!p0 $0x100000, s1;
	[bflag:$0x2] =	sbarrier.arrive $0xFFFF  }
0x67: {  	[sflag:s0] =	ssyncadd.tile.s32 @!p0 $0x1;
	_ =	shalt  }
.Lfunc_end2:
_tile_overlayer_lowered:
.L_overlay_start_2:
0x68: {  	(tag) =	ssettag $0x2  }
0x69: {  	s0 =	rddreg [dreg:$0x0];
	s2 =	stileid.u32  }
0x6a: {  	s1 =	rddreg [dreg:$0x1];
	p0 =	sne.s32 s2, $0x0  }
0x6b: {  	s3 =	rddreg [dreg:$0x2];
	[bflag:$0x3] =	sbarrier.arrive $0xFFFF;
	s2 =	simm.s32 @!p0 $0x1C02  }
0x6c: {  	[timem:s3], [sflag:s2] =	dma.local @!p0 [hbm:s0], s1  }
0x6d: {  	s0 =	simm.s32 @!p0 $0x2  }
0x6e: {  	_ =	swait.ge @!p0 [sflag:s0], s1  }
0x6f: {  	s1 =	ssub.s32 @!p0 $0x0, s1;
	[sflag:s0] =	ssyncset.done @!p0 $0x0  }
0x70: {  	[sflag:s0] =	ssyncadd.s32 @!p0 s1  }
0x71: {  	[bflag:$0x3] =	sbarrier.arrive $0xFFFF  }
0x72: {  	_ =	shalt  }

// kernel: kernel.13.cloned.1.call-start
scs
__scs_entry_jumppad:
0x0: {  	(pc) =	sbr.rel $0x88, $3  }
0x1: {  	(tag) =	ssettag $0x0;
	lr =	simm.s32 $0x1  }
0x2: {  	[smem:$0x3F99] =	sst lr;
	_ =	strace $0xD0000000  }
0x3: {  	_ = 	snop  }
0x4: {  	_ = 	snop  }
0x5: {  	_ = 	snop  }
0x6: {  	_ = 	snop  }
0x7: {  	_ = 	snop  }
__scs_overlays_trampoline_lowered:
0x8: {  	[smem:$0x3FA8] =	sst s0  }
0x9: {  	[smem:$0x3FA9] =	sst s1  }
0xa: {  	[smem:$0x3FAA] =	sst s2  }
0xb: {  	[smem:$0x3FAB] =	sst s3  }
0xc: {  	[smem:$0x3FAC] =	sst s4  }
0xd: {  	[smem:$0x3FAD] =	sst s5  }
0xe: {  	[smem:$0x3FAE] =	sst s6  }
0xf: {  	[smem:$0x3FAF] =	sst s7  }
0x10: {  	[smem:$0x3FB0] =	sst s8  }
0x11: {  	[smem:$0x3FB1] =	sst s9;
	s0 =	simm.s32 @!p0 $0x0  }
0x12: {  	s1 =	sld [smem:$0x3F97];
	s0 =	simm.s32 @p0 $0x1  }
0x13: {  	[smem:$0x3FB2] =	sst s0;
	s0 =	simm.s32 @!p1 $0x0  }
0x14: {  	s2 =	sld [smem:$0x3F96];
	s0 =	simm.s32 @p1 $0x1  }
0x15: {  	[smem:$0x3FB3] =	sst s0;
	s0 =	simm.s32 @!p2 $0x0  }
0x16: {  	s3 =	sld [smem:$0x3FDB];
	s0 =	simm.s32 @p2 $0x1  }
0x17: {  	s4 =	simm.s32 $0x1BF5;
	[smem:$0x3FB5] =	sst s0  }
0x18: {  	s0 =	sld [smem:$0x3F98];
	_ =	swait.ge [sflag:s4], $0x0  }
0x19: {  	s7 =	sld [smem:$0x3F99]  }
0x1a: {  	s8 =	sadd.s32 $0xFFFFE003, lr  }
0x1b: {  	s9 =	sadd.s32 $0xFFFFFEF7, lr;
	s5 =	simm.s32 $0xFFFFFFFF;
	p2 =	slt.u32 s8, $0xFFFFF086  }
0x1c: {  	p1 =	slt.u32 s9, $0xF7A;
	s5 =	simm.s32 @!p2 $0x0  }
0x1d: {  	s5 =	simm.s32 @p1 $0x1;
	p0 =	seq.s32 s7, s2  }
0x1e: {  	s7 =	smul.u32 @!p0 $0xF7A, s2;
	p2 =	seq.s32 @!p0 s5, $0x0  }
0x1f: {  	s9 =	smul.u32 $0xF7A, s1;
	s8 =	simm.s32 @!p0 $0x1BF5;
	p2 =	por !p2, p0  }
0x20: {  	[sflag:s8] =	ssyncset.s32 @!p0 $0xFFFFF086;
	s6 =	sadd.s32 @!p0 s3, s7;
	s7 =	simm.s32 @!p0 $0x108  }
0x21: {  	s3 =	sadd.s32 s3, s9;
	s6 =	sadd.s32 @!p0 $0x88, s6;
	s7 =	simm.s32 @p2 $0x1082  }
0x22: {  	[simem:s7], [sflag:s8] =	dma.local @!p0 [hbm:s6], $0xF7A  }
0x23: {  	s9 =	sor.u32 $0xD0000000, s2;
	s6 =	simm.s32 $0x108;
	_ =	swait.ge @!p0 [sflag:s8], $0x0  }
0x24: {  	s3 =	sadd.s32 $0x88, s3;
	s6 =	simm.s32 @!p1 $0x1082;
	[sflag:s4] =	ssyncset.s32 $0xFFFFF086  }
0x25: {  	[simem:s6], [sflag:s4] =	dma.local [hbm:s3], $0xF7A  }
0x26: {  	[smem:$0x3F99] =	sst s1;
	(tag) =	ssettag s2;
	_ =	strace s9  }
0x27: {  	s1 =	sld [smem:$0x3FA9]  }
0x28: {  	s2 =	sld [smem:$0x3FAA]  }
0x29: {  	s4 =	sld [smem:$0x3FAC]  }
0x2a: {  	p0 =	seq.s32 s5, $0x0;
	s5 =	sld [smem:$0x3FAD]  }
0x2b: {  	s6 =	sld [smem:$0x3FAE]  }
0x2c: {  	s7 =	sld [smem:$0x3FAF]  }
0x2d: {  	s3 =	simm.s32 $0x108;
	s8 =	sld [smem:$0x3FB0]  }
0x2e: {  	s3 =	simm.s32 @!p0 $0x1082;
	s9 =	sld [smem:$0x3FB1]  }
0x2f: {  	lr =	sadd.s32 s0, s3;
	s0 =	sld [smem:$0x3FA8]  }
0x30: {  	s3 =	sld [smem:$0x3FAB]  }
0x31: {  	[smem:$0x3FB4] =	sst s10  }
0x32: {  	s10 =	sld [smem:$0x3FB2];
	_ =	sdelay $0x3  }
0x33: {  	p0 =	seq.s32 s10, $0x1;
	s10 =	sld [smem:$0x3FB4];
	_ =	sdelay $0x3  }
0x34: {  	[smem:$0x3FB4] =	sst s10  }
0x35: {  	s10 =	sld [smem:$0x3FB3];
	_ =	sdelay $0x3  }
0x36: {  	p1 =	seq.s32 s10, $0x1;
	s10 =	sld [smem:$0x3FB4];
	_ =	sdelay $0x3  }
0x37: {  	[smem:$0x3FB4] =	sst s10  }
0x38: {  	s10 =	sld [smem:$0x3FB5]  }
0x39: {  	_ = 	snop;
	(pc) =	sbr.ind lr, $3  }
0x3a: {  	_ = 	snop  }
0x3b: {  	_ = 	snop  }
0x3c: {  	p2 =	seq.s32 s10, $0x1;
	s10 =	sld [smem:$0x3FB4]  }
0x3d: {  	_ =	shalt  }
0x3e: {  	_ =	shalt  }
0x3f: {  	_ =	shalt  }
0x40: {  	_ =	shalt  }
0x41: {  	_ =	shalt  }
0x42: {  	_ =	shalt  }
0x43: {  	_ =	shalt  }
0x44: {  	_ =	shalt  }
0x45: {  	_ =	shalt  }
0x46: {  	_ =	shalt  }
0x47: {  	_ =	shalt  }
0x48: {  	_ =	shalt  }
0x49: {  	_ =	shalt  }
0x4a: {  	_ =	shalt  }
0x4b: {  	_ =	shalt  }
0x4c: {  	_ =	shalt  }
0x4d: {  	_ =	shalt  }
0x4e: {  	_ =	shalt  }
0x4f: {  	_ =	shalt  }
0x50: {  	_ =	shalt  }
0x51: {  	_ =	shalt  }
0x52: {  	_ =	shalt  }
0x53: {  	_ =	shalt  }
0x54: {  	_ =	shalt  }
0x55: {  	_ =	shalt  }
0x56: {  	_ =	shalt  }
0x57: {  	_ =	shalt  }
0x58: {  	_ =	shalt  }
0x59: {  	_ =	shalt  }
0x5a: {  	_ =	shalt  }
0x5b: {  	_ =	shalt  }
0x5c: {  	_ =	shalt  }
0x5d: {  	_ =	shalt  }
0x5e: {  	_ =	shalt  }
0x5f: {  	_ =	shalt  }
0x60: {  	_ =	shalt  }
0x61: {  	_ =	shalt  }
0x62: {  	_ =	shalt  }
0x63: {  	_ =	shalt  }
0x64: {  	_ =	shalt  }
0x65: {  	_ =	shalt  }
0x66: {  	_ =	shalt  }
0x67: {  	_ =	shalt  }
0x68: {  	_ =	shalt  }
0x69: {  	_ =	shalt  }
0x6a: {  	_ =	shalt  }
0x6b: {  	_ =	shalt  }
0x6c: {  	_ =	shalt  }
0x6d: {  	_ =	shalt  }
0x6e: {  	_ =	shalt  }
0x6f: {  	_ =	shalt  }
0x70: {  	_ =	shalt  }
0x71: {  	_ =	shalt  }
0x72: {  	_ =	shalt  }
0x73: {  	_ =	shalt  }
0x74: {  	_ =	shalt  }
0x75: {  	_ =	shalt  }
0x76: {  	_ =	shalt  }
0x77: {  	_ =	shalt  }
0x78: {  	_ =	shalt  }
0x79: {  	_ =	shalt  }
0x7a: {  	_ =	shalt  }
0x7b: {  	_ =	shalt  }
0x7c: {  	_ =	shalt  }
0x7d: {  	_ =	shalt  }
0x7e: {  	_ =	shalt  }
0x7f: {  	_ =	shalt  }
0x80: {  	_ =	shalt  }
0x81: {  	_ =	shalt  }
0x82: {  	_ =	shalt  }
0x83: {  	_ =	shalt  }
0x84: {  	_ =	shalt  }
0x85: {  	_ =	shalt  }
0x86: {  	_ =	shalt  }
0x87: {  	_ =	shalt  }
.Lfunc_end0:
.L_simem_size_0:
called_computation.2_lowered:
.L_overlay_start_0:
0x88: {  	s2 =	sld [smem:$0x3FD9]  }
0x89: {  	s3 =	sld [smem:$0x3FFE];
	_ =	sdelay $0x1  }
0x8a: {  	s1 =	srdreg.scid  }
0x8b: {  	s0 =	sand.u32 $0x1, s1  }
0x8c: {  	s17 =	sshll.u32 s0, $0xA;
	s2 =	sadd.s32 s3, s2  }
0x8d: {  	s2 =	sadd.s32 s2, s17  }
0x8e: {  	[smem:$0x3FC0] =	sst s2  }
0x8f: {  	_ = 	snop  }
0x90: {  	s2 =	sld [smem:$0x3FD0];
	(tm) =	ssettm $0x1  }
0x91: {  	s18 =	sld [smem:$0x3FFB];
	_ =	sdelay $0x3  }
0x92: {  	_ =	strace s18  }
0x93: {  	s3 =	sld [smem:$0x3FFC];
	_ =	sdelay $0x3  }
0x94: {  	_ =	strace s3  }
0x95: {  	s3 =	sld [smem:$0x3FFD];
	_ =	sdelay $0x3  }
0x96: {  	_ =	strace s3  }
0x97: {  	_ =	strace $0x8FFFFFFF  }
0x98: {  	s19 =	sld [smem:$0x3FDB];
	_ =	sdelay $0x1  }
0x99: {  	s4 =	simm.s32 $_scs_section_size  }
0x9a: {  	s5 =	simm.s32 $_size__tile_overlayer_lowered;
	s6 =	simm.s32 $_tile_overlayer_lowered  }
0x9b: {  	s22 =	simm.s32 $0x1BFF;
	s21 =	sshll.u32 s6, $0x1;
	s3 =	sadd.s32 s4, s19  }
0x9c: {  	s7 =	simm.s32 $0x0;
	s20 =	sshll.u32 s5, $0x1;
	s5 =	sadd.s32 s21, s3  }
0x9d: {  	[timem:s7], [sflag:s22] =	dma.local [hbm:s5], s20  }
0x9e: {  	_ =	swait.ge [sflag:s22], s20  }
0x9f: {  	s4 =	ssub.s32 $0x0, s20;
	[sflag:s22] =	ssyncset.done $0x0  }
0xa0: {  	[sflag:s22] =	ssyncadd.s32 s4;
	_ =	sdelay $0x1  }
0xa1: {  	s23 =	simm.s32 $0x1B8B  }
0xa2: {  	_ =	swait.ge [sflag:s23], $0x1  }
0xa3: {  	[sflag:s23] =	ssyncset.done $0x0  }
0xa4: {  	s25 =	simm.s32 $0x1B8E;
	s24 =	sld [smem:$0x3FFE];
	[sflag:s23] =	ssyncadd.s32 $0xFFFFFFFF  }
0xa5: {  	s26 =	simm.s32 $execute0_lowered;
	[smem:$0x3FD2] =	sst s25  }
0xa6: {  	s5 =	sshll.u32 s26, $0x1;
	_ =	strace $0x8000004C;
	[dreg:$0x1] =	wrdreg $0xFFFFFFFF  }
0xa7: {  	s28 =	simm.s32 $_size_execute0_lowered;
	s3 =	sadd.s32 s3, s5;
	[dreg:$0x0] =	wrdreg $0x0  }
0xa8: {  	s5 =	sshll.u32 s28, $0x1;
	[dreg:$0x2] =	wrdreg s3  }
0xa9: {  	[dreg:$0x3] =	wrdreg s5  }
0xaa: {  	[dreg:$0x4] =	wrdreg $0xC0  }
0xab: {  	_ =	task [dreg:s7], $0x5FFFF  }
0xac: {  	[dreg:$0x1] =	wrdreg $0xFFFFFFFF  }
0xad: {  	[dreg:$0x0] =	wrdreg $0x60  }
0xae: {  	[dreg:$0x2] =	wrdreg s2  }
0xaf: {  	[dreg:$0x3] =	wrdreg s24  }
0xb0: {  	[dreg:$0x4] =	wrdreg $0x49000  }
0xb1: {  	[dreg:$0x5] =	wrdreg $0x9  }
0xb2: {  	_ =	task.clear_ibuf [dreg:s7], $0x6FFFF;
	_ =	strace $0x9000004C  }
0xb3: {  	s29 =	simm.s32 $0x9;
	_ =	strace $0x8000004E  }
0xb4: {  	_ =	swait.ge [sflag:s29], $0x1  }
0xb5: {  	[sflag:s29] =	ssyncadd.s32 $0xFFFFFFFF  }
0xb6: {  	_ =	strace $0x9000004E  }
0xb7: {  	_ =	sfence  }
0xb8: {  	s30 =	sld [smem:$0x0];
	_ =	sdelay $0x2  }
0xb9: {  	s31 =	sshll.u32 s1, $0xD;
	s1 =	sshrl.u32 s1, $0x2  }
0xba: {  	s3 =	sand.u32 $0x4000, s31;
	s1 =	sadd.s32 s1, s30  }
0xbb: {  	s0 =	sor.u32 s3, s0;
	s1 =	sshll.u32 s1, $0x11  }
0xbc: {  	s0 =	sor.u32 s1, s0  }
0xbd: {  	s0 =	sadd.s32 $0x8F2B, s0  }
0xbe: {  	[sflag:s0] =	ssyncadd.remote.s32 $0x1  }
0xbf: {  	_ =	sfence.sel $0xFFFF  }
0xc0: {  	[dreg:$0x0] =	wrdreg $0xFFFFFFFF;
	(pc) =	sbr.abs _section_cstart, $3  }
0xc1: {  	[dreg:$0x1] =	wrdreg $0xFFFFFFFF  }
0xc2: {  	_ =	task.clear_ibuf [dreg:s7], $0x2FFFF;
	_ =	strace $0x9FFFFFFF  }
0xc3: {  	(tm) =	ssettm $0x7FFFFFFF  }
tec
execute0_lowered:
.L_overlay_start_1:
0x0: {  	(tag) =	ssettag $0x1  }
0x1: {  	s2 =	rddreg [dreg:$0x0]  }
0x2: {  	s6 =	rddreg [dreg:$0x1]  }
0x3: {  	s3 =	rddreg [dreg:$0x2]  }
0x4: {  	s0 =	stileid.u32;
	s4 =	srdreg.scid  }
0x5: {  	s1 =	rddreg [dreg:$0x3];
	s13 =	simm.s32 $0x2;
	s5 =	smul.u32 $0x61, s0  }
0x6: {  	s14 =	simm.s32 $0x4500;
	s15 =	simm.s32 $0x0;
	s8 =	smul.u32 $0x3D, s0  }
0x7: {  	s7 =	sand.u32 $0x1, s4;
	s4 =	simm.s32 $0x0;
	s9 =	smul.u32 $0x4F000, s0  }
0x8: {  	s12 =	smul.u32 $0x2780, s0;
	p0 =	seq.s32 s7, $0x0;
	[smem:$0x7FF] =	sst s4  }
0x9: {  	s30 =	smul.u32 $0x27800, s7;
	s7 =	ssub.s32 $0x2, s7;
	s5 =	sadd.s32 $0x3D0, s5  }
0xa: {  	_ =	strace $0x8000004D;
	s31 =	sshrl.u32 s7, $0x1;
	s9 =	sshrl.u32 s9, $0x2  }
0xb: {  	s5 =	smov.u32 @p0 s8;
	s11 =	sadd.s32 s30, s6;
	s8 =	ssub.s32 s7, s31  }
0xc: {  	s7 =	sadd.s32 s9, s3;
	s5 =	sshll.u32 s5, $0x4;
	s8 =	smax.u32 s8, $0x1  }
0xd: {  	s11 =	sadd.s32 s12, s11;
	s12 =	simm.s32 $0x4100;
	s10 =	sadd.s32 s5, s6  }
0xe: {  	s5 =	sadd.s32 $0x15E00, s6;
	s6 =	simm.s32 $0x3D;
	s11 =	sadd.s32 $0x16000, s11  }
0xf: {  	s6 =	simm.s32 @!p0 $0x61;
	s9 =	sadd.s32 $0xC000, s10;
	s10 =	sadd.s32 $0x2200, s10  }
.LBB2_1:
0x10: {  	[tilespmem:s12], [sflag:$0x2] =	stream.linear.gather [hbm4b:s5+s4], $0x400, $0x38;
	[tilespmem:$0x18500] =	vst v63  }
0x11: {  	_ =	swait.ge [sflag:s13], $0x400  }
0x12: {  	[sflag:s13] =	ssyncset.done $0x0  }
0x13: {  	s16 =	sadd.s32 $0x0, s7;
	[sflag:s13] =	ssyncadd.s32 $0xFFFFFC00  }
0x14: {  	[spmem:s16] =	stream.linear.scatter [tilespmem:s12], [sflag:$0x2], $0x400, $0x38;
	[tilespmem:$0x18500] =	vst v63  }
0x15: {  	s16 =	simm.s32 $0x1000;
	_ =	swait.ge [sflag:s13], $0x400  }
.LBB2_2:
0x16: {  	s17 =	sshra.s32 s16, $0x2;
	[sflag:s13] =	ssyncset.done $0x0;
	p0 =	sne.s32 s16, $0x4E000  }
.Ltmp0:
0x17: {  	s17 =	sadd.s32 s17, s7;
	[sflag:s13] =	ssyncadd.s32 $0xFFFFFC00;
	(pc) =	sbr.rel @p0 .LBB2_2-.Ltmp0, $3  }
0x18: {  	[spmem:s17] =	stream.linear.scatter [tilespmem:s12], [sflag:$0x2], $0x400, $0x38;
	[tilespmem:$0x18500] =	vst v63  }
0x19: {  	s16 =	sadd.s32 $0x1000, s16;
	_ =	sdelay $0x1  }
0x1a: {  	_ =	swait.ge [sflag:s13], $0x400  }
0x1b: {  	[sflag:s13] =	ssyncset.done $0x0  }
0x1c: {  	p0 =	sle.u32 s6, $0x0;
	[sflag:s13] =	ssyncadd.s32 $0xFFFFFC00  }
0x1d: {  	s16 =	simm.s32 @!p0 $0x0;
	s17 =	simm.s32 @!p0 $0x3;
	[bflag:$0x0] =	sbarrier.arrive $0xFFFF  }
0x1e: {  	[tilespmem:s16], [sflag:$0x3] =	stream.linear.gather @!p0 [hbm4b:s9+s16], $0x80, $0x38;
	[tilespmem:$0x18500] =	vst v63  }
0x1f: {  	_ =	swait.ge @!p0 [sflag:s17], $0x80  }
0x20: {  	[sflag:s17] =	ssyncset.done @!p0 $0x0;
	p0 =	por p0, p0  }
0x21: {  	[sflag:s17] =	ssyncadd.s32 @!p0 $0xFFFFFF80;
	s18 =	simm.s32 @!p0 $0x80  }
0x22: {  	[tilespmem:s18], [sflag:$0x3] =	stream.linear.gather @!p0 [hbm4b:s10+s16], $0x80, $0x38;
	[tilespmem:$0x18500] =	vst v63  }
0x23: {  	_ =	swait.ge @!p0 [sflag:s17], $0x80  }
0x24: {  	[sflag:s17] =	ssyncset.done @!p0 $0x0  }
0x25: {  	s19 =	simm.s32 @!p0 $0x1;
	[sflag:s17] =	ssyncadd.s32 @!p0 $0xFFFFFF80;
	s17 =	simm.s32 @!p0 $0x100  }
0x26: {  	[tilespmem:s17], [sflag:$0x1] =	stream.indirect.gather @!p0 [hbm4b:s2+s18], $0x80, s16, s18, $0xb8;
	[tilespmem:$0x18500] =	vst v63  }
0x27: {  	_ =	swait.ge @!p0 [sflag:s19], $0x4000  }
0x28: {  	[sflag:s19] =	ssyncset.done @!p0 $0x0  }
0x29: {  	[sflag:s19] =	ssyncadd.s32 @!p0 $0xFFFFC000;
	s19 =	simm.s32 @!p0 $0x2  }
0x2a: {  	[spmem:s3] =	stream.indirect.scatter.add.f32 @!p0 [tilespmem:s17], [sflag:$0x2], $0x80, s18, s18, $0xb8;
	[tilespmem:$0x18500] =	vst v63  }
0x2b: {  	p2 =	sle.u32 s6, $0x1;
	s16 =	sadd.s32 $0x10, s10;
	_ =	swait.ge @!p0 [sflag:s19], $0x4000  }
0x2c: {  	s17 =	simm.s32 $0x2;
	s18 =	sadd.s32 $0x10, s9;
	[sflag:s19] =	ssyncset.done @!p0 $0x0  }
.LBB2_4:
0x2d: {  	s20 =	simm.s32 @!p2 $0x0;
	s21 =	simm.s32 @!p2 $0x3;
	[sflag:s19] =	ssyncadd.s32 @!p0 $0xFFFFC000  }
0x2e: {  	[tilespmem:s20], [sflag:$0x3] =	stream.linear.gather @!p2 [hbm4b:s18+s20], $0x80, $0x38;
	[tilespmem:$0x18500] =	vst v63  }
0x2f: {  	s22 =	smov.u32 s17;
	s17 =	sadd.s32 $0x1, s17;
	_ =	swait.ge @!p2 [sflag:s21], $0x80  }
0x30: {  	p0 =	por p2, p2;
	p1 =	sne.s32 s17, $0x61;
	[sflag:s21] =	ssyncset.done @!p2 $0x0  }
0x31: {  	s23 =	simm.s32 @!p0 $0x80;
	[sflag:s21] =	ssyncadd.s32 @!p0 $0xFFFFFF80  }
0x32: {  	[tilespmem:s23], [sflag:$0x3] =	stream.linear.gather @!p0 [hbm4b:s16+s20], $0x80, $0x38;
	[tilespmem:$0x18500] =	vst v63  }
0x33: {  	_ =	swait.ge @!p0 [sflag:s21], $0x80  }
0x34: {  	[sflag:s21] =	ssyncset.done @!p0 $0x0  }
0x35: {  	s19 =	simm.s32 @!p0 $0x1;
	[sflag:s21] =	ssyncadd.s32 @!p0 $0xFFFFFF80;
	s21 =	simm.s32 @!p0 $0x100  }
0x36: {  	[tilespmem:s21], [sflag:$0x1] =	stream.indirect.gather @!p0 [hbm4b:s2+s23], $0x80, s20, s23, $0xb8;
	[tilespmem:$0x18500] =	vst v63  }
0x37: {  	_ =	swait.ge @!p0 [sflag:s19], $0x4000  }
.Ltmp1:
0x38: {  	[sflag:s19] =	ssyncset.done @!p0 $0x0;
	(pc) =	sbr.rel @p1 .LBB2_4-.Ltmp1, $4  }
0x39: {  	[sflag:s19] =	ssyncadd.s32 @!p0 $0xFFFFC000;
	s19 =	simm.s32 @!p0 $0x2  }
0x3a: {  	[spmem:s3] =	stream.indirect.scatter.add.f32 @!p0 [tilespmem:s21], [sflag:$0x2], $0x80, s23, s23, $0xb8;
	[tilespmem:$0x18500] =	vst v63  }
0x3b: {  	s16 =	sadd.s32 $0x10, s16;
	_ =	swait.ge @!p0 [sflag:s19], $0x4000  }
0x3c: {  	s18 =	sadd.s32 $0x10, s18;
	p2 =	sge.u32 s22, s6;
	[sflag:s19] =	ssyncset.done @!p0 $0x0  }
0x3d: {  	s17 =	simm.s32 @!p2 $0x0;
	s20 =	simm.s32 @!p2 $0x3;
	[sflag:s19] =	ssyncadd.s32 @!p0 $0xFFFFC000  }
0x3e: {  	[tilespmem:s17], [sflag:$0x3] =	stream.linear.gather @!p2 [hbm4b:s18+s17], $0x80, $0x38;
	[tilespmem:$0x18500] =	vst v63  }
0x3f: {  	_ =	swait.ge @!p2 [sflag:s20], $0x80  }
0x40: {  	p0 =	por p2, p2;
	[sflag:s20] =	ssyncset.done @!p2 $0x0  }
0x41: {  	s18 =	simm.s32 @!p0 $0x80;
	[sflag:s20] =	ssyncadd.s32 @!p0 $0xFFFFFF80  }
0x42: {  	[tilespmem:s18], [sflag:$0x3] =	stream.linear.gather @!p0 [hbm4b:s16+s17], $0x80, $0x38;
	[tilespmem:$0x18500] =	vst v63  }
0x43: {  	_ =	swait.ge @!p0 [sflag:s20], $0x80  }
0x44: {  	[sflag:s20] =	ssyncset.done @!p0 $0x0  }
0x45: {  	s19 =	simm.s32 @!p0 $0x1;
	s16 =	simm.s32 @!p0 $0x100;
	[sflag:s20] =	ssyncadd.s32 @!p0 $0xFFFFFF80  }
0x46: {  	[tilespmem:s16], [sflag:$0x1] =	stream.indirect.gather @!p0 [hbm4b:s2+s18], $0x80, s17, s18, $0xb8;
	[tilespmem:$0x18500] =	vst v63  }
0x47: {  	_ =	swait.ge @!p0 [sflag:s19], $0x4000  }
0x48: {  	[sflag:s19] =	ssyncset.done @!p0 $0x0  }
0x49: {  	s17 =	simm.s32 @!p0 $0x2;
	[sflag:s19] =	ssyncadd.s32 @!p0 $0xFFFFC000  }
0x4a: {  	[spmem:s3] =	stream.indirect.scatter.add.f32 @!p0 [tilespmem:s16], [sflag:$0x2], $0x80, s18, s18, $0xb8;
	[tilespmem:$0x18500] =	vst v63  }
0x4b: {  	_ =	swait.ge @!p0 [sflag:s17], $0x4000  }
0x4c: {  	[sflag:s17] =	ssyncset.done @!p0 $0x0  }
0x4d: {  	[sflag:s17] =	ssyncadd.s32 @!p0 $0xFFFFC000  }
0x4e: {  	[bflag:$0x0] =	sbarrier.arrive $0xFFFF  }
0x4f: {  	[tilespmem:s14], [sflag:$0x2] =	stream.linear.gather [spmem:s7], $0x400, $0x38;
	[tilespmem:$0x18500] =	vst v63  }
0x50: {  	_ =	swait.ge [sflag:s13], $0x400  }
0x51: {  	[sflag:s13] =	ssyncset.done $0x0  }
0x52: {  	s31 =	sadd.s32 $0x0, s11;
	[sflag:s13] =	ssyncadd.s32 $0xFFFFFC00  }
0x53: {  	[hbm4b:s31+s4] =	stream.linear.scatter [tilespmem:s14], [sflag:$0x2], $0x400, $0x38;
	[tilespmem:$0x18500] =	vst v63  }
0x54: {  	_ =	swait.ge [sflag:s13], $0x400  }
0x55: {  	s16 =	simm.s32 $0x80;
	s17 =	smov.u32 s7;
	[sflag:s13] =	ssyncset.done $0x0  }
.LBB2_6:
0x56: {  	p0 =	sne.s32 s16, $0x2700;
	[sflag:s13] =	ssyncadd.s32 $0xFFFFFC00;
	s17 =	sadd.s32 $0x400, s17  }
0x57: {  	[tilespmem:s14], [sflag:$0x2] =	stream.linear.gather [spmem:s17], $0x400, $0x38;
	[tilespmem:$0x18500] =	vst v63  }
0x58: {  	s18 =	smov.u32 s16;
	s16 =	sadd.s32 $0x80, s16;
	_ =	swait.ge [sflag:s13], $0x400  }
.Ltmp2:
0x59: {  	[sflag:s13] =	ssyncset.done $0x0;
	(pc) =	sbr.rel @p0 .LBB2_6-.Ltmp2, $4  }
0x5a: {  	s18 =	sadd.s32 s18, s11;
	[sflag:s13] =	ssyncadd.s32 $0xFFFFFC00  }
0x5b: {  	[hbm4b:s18+s4] =	stream.linear.scatter [tilespmem:s14], [sflag:$0x2], $0x400, $0x38;
	[tilespmem:$0x18500] =	vst v63  }
0x5c: {  	_ =	swait.ge [sflag:s13], $0x400  }
0x5d: {  	[sflag:s13] =	ssyncset.done $0x0  }
0x5e: {  	s15 =	sadd.s32 $0x1, s15  }
0x5f: {  	p0 =	sne.s32 s15, s8  }
.Ltmp3:
0x60: {  	_ = 	snop;
	(pc) =	sbr.rel @p0 .LBB2_1-.Ltmp3, $2  }
0x61: {  	_ =	sdelay $0x2  }
0x62: {  	[sflag:s13] =	ssyncadd.s32 $0xFFFFFC00  }
0x63: {  	_ =	sfence.sel $0x180000  }
0x64: {  	[bflag:$0x0] =	sbarrier.arrive $0xFFFF  }
0x65: {  	p0 =	sne.s32 s0, $0x0;
	_ =	strace $0x9000004D  }
0x66: {  	s0 =	sadd.s32 @!p0 $0x100000, s1;
	[bflag:$0x2] =	sbarrier.arrive $0xFFFF  }
0x67: {  	[sflag:s0] =	ssyncadd.tile.s32 @!p0 $0x1;
	_ =	shalt  }
.Lfunc_end2:
_tile_overlayer_lowered:
.L_overlay_start_2:
0x68: {  	(tag) =	ssettag $0x2  }
0x69: {  	s0 =	rddreg [dreg:$0x0];
	s2 =	stileid.u32  }
0x6a: {  	s1 =	rddreg [dreg:$0x1];
	p0 =	sne.s32 s2, $0x0  }
0x6b: {  	s3 =	rddreg [dreg:$0x2];
	[bflag:$0x3] =	sbarrier.arrive $0xFFFF;
	s2 =	simm.s32 @!p0 $0x1C02  }
0x6c: {  	[timem:s3], [sflag:s2] =	dma.local @!p0 [hbm:s0], s1  }
0x6d: {  	s0 =	simm.s32 @!p0 $0x2  }
0x6e: {  	_ =	swait.ge @!p0 [sflag:s0], s1  }
0x6f: {  	s1 =	ssub.s32 @!p0 $0x0, s1;
	[sflag:s0] =	ssyncset.done @!p0 $0x0  }
0x70: {  	[sflag:s0] =	ssyncadd.s32 @!p0 s1  }
0x71: {  	[bflag:$0x3] =	sbarrier.arrive $0xFFFF  }
0x72: {  	_ =	shalt  }

// kernel: kernel.7.cloned.1.call-start
scs
__scs_entry_jumppad:
0x0: {  	(pc) =	sbr.rel $0x88, $3  }
0x1: {  	(tag) =	ssettag $0x0;
	lr =	simm.s32 $0x1  }
0x2: {  	[smem:$0x3F99] =	sst lr;
	_ =	strace $0xD0000000  }
0x3: {  	_ = 	snop  }
0x4: {  	_ = 	snop  }
0x5: {  	_ = 	snop  }
0x6: {  	_ = 	snop  }
0x7: {  	_ = 	snop  }
__scs_overlays_trampoline_lowered:
0x8: {  	[smem:$0x3FA8] =	sst s0  }
0x9: {  	[smem:$0x3FA9] =	sst s1  }
0xa: {  	[smem:$0x3FAA] =	sst s2  }
0xb: {  	[smem:$0x3FAB] =	sst s3  }
0xc: {  	[smem:$0x3FAC] =	sst s4  }
0xd: {  	[smem:$0x3FAD] =	sst s5  }
0xe: {  	[smem:$0x3FAE] =	sst s6  }
0xf: {  	[smem:$0x3FAF] =	sst s7  }
0x10: {  	[smem:$0x3FB0] =	sst s8  }
0x11: {  	[smem:$0x3FB1] =	sst s9;
	s0 =	simm.s32 @!p0 $0x0  }
0x12: {  	s1 =	sld [smem:$0x3F97];
	s0 =	simm.s32 @p0 $0x1  }
0x13: {  	[smem:$0x3FB2] =	sst s0;
	s0 =	simm.s32 @!p1 $0x0  }
0x14: {  	s2 =	sld [smem:$0x3F96];
	s0 =	simm.s32 @p1 $0x1  }
0x15: {  	[smem:$0x3FB3] =	sst s0;
	s0 =	simm.s32 @!p2 $0x0  }
0x16: {  	s3 =	sld [smem:$0x3FDB];
	s0 =	simm.s32 @p2 $0x1  }
0x17: {  	s4 =	simm.s32 $0x1BF5;
	[smem:$0x3FB5] =	sst s0  }
0x18: {  	s0 =	sld [smem:$0x3F98];
	_ =	swait.ge [sflag:s4], $0x0  }
0x19: {  	s7 =	sld [smem:$0x3F99]  }
0x1a: {  	s8 =	sadd.s32 $0xFFFFE003, lr  }
0x1b: {  	s9 =	sadd.s32 $0xFFFFFEF7, lr;
	s5 =	simm.s32 $0xFFFFFFFF;
	p2 =	slt.u32 s8, $0xFFFFF086  }
0x1c: {  	p1 =	slt.u32 s9, $0xF7A;
	s5 =	simm.s32 @!p2 $0x0  }
0x1d: {  	s5 =	simm.s32 @p1 $0x1;
	p0 =	seq.s32 s7, s2  }
0x1e: {  	s7 =	smul.u32 @!p0 $0xF7A, s2;
	p2 =	seq.s32 @!p0 s5, $0x0  }
0x1f: {  	s9 =	smul.u32 $0xF7A, s1;
	s8 =	simm.s32 @!p0 $0x1BF5;
	p2 =	por !p2, p0  }
0x20: {  	[sflag:s8] =	ssyncset.s32 @!p0 $0xFFFFF086;
	s6 =	sadd.s32 @!p0 s3, s7;
	s7 =	simm.s32 @!p0 $0x108  }
0x21: {  	s3 =	sadd.s32 s3, s9;
	s6 =	sadd.s32 @!p0 $0x88, s6;
	s7 =	simm.s32 @p2 $0x1082  }
0x22: {  	[simem:s7], [sflag:s8] =	dma.local @!p0 [hbm:s6], $0xF7A  }
0x23: {  	s9 =	sor.u32 $0xD0000000, s2;
	s6 =	simm.s32 $0x108;
	_ =	swait.ge @!p0 [sflag:s8], $0x0  }
0x24: {  	s3 =	sadd.s32 $0x88, s3;
	s6 =	simm.s32 @!p1 $0x1082;
	[sflag:s4] =	ssyncset.s32 $0xFFFFF086  }
0x25: {  	[simem:s6], [sflag:s4] =	dma.local [hbm:s3], $0xF7A  }
0x26: {  	[smem:$0x3F99] =	sst s1;
	(tag) =	ssettag s2;
	_ =	strace s9  }
0x27: {  	s1 =	sld [smem:$0x3FA9]  }
0x28: {  	s2 =	sld [smem:$0x3FAA]  }
0x29: {  	s4 =	sld [smem:$0x3FAC]  }
0x2a: {  	p0 =	seq.s32 s5, $0x0;
	s5 =	sld [smem:$0x3FAD]  }
0x2b: {  	s6 =	sld [smem:$0x3FAE]  }
0x2c: {  	s7 =	sld [smem:$0x3FAF]  }
0x2d: {  	s3 =	simm.s32 $0x108;
	s8 =	sld [smem:$0x3FB0]  }
0x2e: {  	s3 =	simm.s32 @!p0 $0x1082;
	s9 =	sld [smem:$0x3FB1]  }
0x2f: {  	lr =	sadd.s32 s0, s3;
	s0 =	sld [smem:$0x3FA8]  }
0x30: {  	s3 =	sld [smem:$0x3FAB]  }
0x31: {  	[smem:$0x3FB4] =	sst s10  }
0x32: {  	s10 =	sld [smem:$0x3FB2];
	_ =	sdelay $0x3  }
0x33: {  	p0 =	seq.s32 s10, $0x1;
	s10 =	sld [smem:$0x3FB4];
	_ =	sdelay $0x3  }
0x34: {  	[smem:$0x3FB4] =	sst s10  }
0x35: {  	s10 =	sld [smem:$0x3FB3];
	_ =	sdelay $0x3  }
0x36: {  	p1 =	seq.s32 s10, $0x1;
	s10 =	sld [smem:$0x3FB4];
	_ =	sdelay $0x3  }
0x37: {  	[smem:$0x3FB4] =	sst s10  }
0x38: {  	s10 =	sld [smem:$0x3FB5]  }
0x39: {  	_ = 	snop;
	(pc) =	sbr.ind lr, $3  }
0x3a: {  	_ = 	snop  }
0x3b: {  	_ = 	snop  }
0x3c: {  	p2 =	seq.s32 s10, $0x1;
	s10 =	sld [smem:$0x3FB4]  }
0x3d: {  	_ =	shalt  }
0x3e: {  	_ =	shalt  }
0x3f: {  	_ =	shalt  }
0x40: {  	_ =	shalt  }
0x41: {  	_ =	shalt  }
0x42: {  	_ =	shalt  }
0x43: {  	_ =	shalt  }
0x44: {  	_ =	shalt  }
0x45: {  	_ =	shalt  }
0x46: {  	_ =	shalt  }
0x47: {  	_ =	shalt  }
0x48: {  	_ =	shalt  }
0x49: {  	_ =	shalt  }
0x4a: {  	_ =	shalt  }
0x4b: {  	_ =	shalt  }
0x4c: {  	_ =	shalt  }
0x4d: {  	_ =	shalt  }
0x4e: {  	_ =	shalt  }
0x4f: {  	_ =	shalt  }
0x50: {  	_ =	shalt  }
0x51: {  	_ =	shalt  }
0x52: {  	_ =	shalt  }
0x53: {  	_ =	shalt  }
0x54: {  	_ =	shalt  }
0x55: {  	_ =	shalt  }
0x56: {  	_ =	shalt  }
0x57: {  	_ =	shalt  }
0x58: {  	_ =	shalt  }
0x59: {  	_ =	shalt  }
0x5a: {  	_ =	shalt  }
0x5b: {  	_ =	shalt  }
0x5c: {  	_ =	shalt  }
0x5d: {  	_ =	shalt  }
0x5e: {  	_ =	shalt  }
0x5f: {  	_ =	shalt  }
0x60: {  	_ =	shalt  }
0x61: {  	_ =	shalt  }
0x62: {  	_ =	shalt  }
0x63: {  	_ =	shalt  }
0x64: {  	_ =	shalt  }
0x65: {  	_ =	shalt  }
0x66: {  	_ =	shalt  }
0x67: {  	_ =	shalt  }
0x68: {  	_ =	shalt  }
0x69: {  	_ =	shalt  }
0x6a: {  	_ =	shalt  }
0x6b: {  	_ =	shalt  }
0x6c: {  	_ =	shalt  }
0x6d: {  	_ =	shalt  }
0x6e: {  	_ =	shalt  }
0x6f: {  	_ =	shalt  }
0x70: {  	_ =	shalt  }
0x71: {  	_ =	shalt  }
0x72: {  	_ =	shalt  }
0x73: {  	_ =	shalt  }
0x74: {  	_ =	shalt  }
0x75: {  	_ =	shalt  }
0x76: {  	_ =	shalt  }
0x77: {  	_ =	shalt  }
0x78: {  	_ =	shalt  }
0x79: {  	_ =	shalt  }
0x7a: {  	_ =	shalt  }
0x7b: {  	_ =	shalt  }
0x7c: {  	_ =	shalt  }
0x7d: {  	_ =	shalt  }
0x7e: {  	_ =	shalt  }
0x7f: {  	_ =	shalt  }
0x80: {  	_ =	shalt  }
0x81: {  	_ =	shalt  }
0x82: {  	_ =	shalt  }
0x83: {  	_ =	shalt  }
0x84: {  	_ =	shalt  }
0x85: {  	_ =	shalt  }
0x86: {  	_ =	shalt  }
0x87: {  	_ =	shalt  }
.Lfunc_end0:
.L_simem_size_0:
called_computation_lowered:
.L_overlay_start_0:
0x88: {  	s2 =	sld [smem:$0x3FD9]  }
0x89: {  	s3 =	sld [smem:$0x3FFE];
	_ =	sdelay $0x1  }
0x8a: {  	s1 =	srdreg.scid  }
0x8b: {  	s0 =	sand.u32 $0x1, s1  }
0x8c: {  	s17 =	sshll.u32 s0, $0xA;
	s2 =	sadd.s32 s3, s2  }
0x8d: {  	s2 =	sadd.s32 s2, s17  }
0x8e: {  	[smem:$0x3FC0] =	sst s2  }
0x8f: {  	_ = 	snop  }
0x90: {  	s18 =	sld [smem:$0x3FD0];
	(tm) =	ssettm $0x1  }
0x91: {  	s19 =	sld [smem:$0x3FFB];
	_ =	sdelay $0x3  }
0x92: {  	_ =	strace s19  }
0x93: {  	s2 =	sld [smem:$0x3FFC];
	_ =	sdelay $0x3  }
0x94: {  	_ =	strace s2  }
0x95: {  	s2 =	sld [smem:$0x3FFD];
	_ =	sdelay $0x3  }
0x96: {  	_ =	strace s2  }
0x97: {  	_ =	strace $0x8FFFFFFF  }
0x98: {  	s20 =	sld [smem:$0x3FDB];
	_ =	sdelay $0x1  }
0x99: {  	s4 =	simm.s32 $_scs_section_size  }
0x9a: {  	s5 =	simm.s32 $_size__tile_overlayer_lowered;
	s6 =	simm.s32 $_tile_overlayer_lowered  }
0x9b: {  	s7 =	simm.s32 $0x1BFF;
	s21 =	sshll.u32 s6, $0x1;
	s4 =	sadd.s32 s4, s20  }
0x9c: {  	s22 =	simm.s32 $0x0;
	s5 =	sshll.u32 s5, $0x1;
	s6 =	sadd.s32 s21, s4  }
0x9d: {  	[timem:s22], [sflag:s7] =	dma.local [hbm:s6], s5  }
0x9e: {  	_ =	swait.ge [sflag:s7], s5  }
0x9f: {  	s5 =	ssub.s32 $0x0, s5;
	[sflag:s7] =	ssyncset.done $0x0  }
0xa0: {  	[sflag:s7] =	ssyncadd.s32 s5;
	_ =	sdelay $0x1  }
0xa1: {  	s23 =	simm.s32 $0x1B8B  }
0xa2: {  	_ =	swait.ge [sflag:s23], $0x1  }
0xa3: {  	[sflag:s23] =	ssyncset.done $0x0  }
0xa4: {  	[sflag:s23] =	ssyncadd.s32 $0xFFFFFFFF  }
0xa5: {  	s5 =	sld [smem:$0x0]  }
0xa6: {  	s6 =	sand.u32 $0xFFFFFFFE, s1  }
0xa7: {  	p0 =	sne.s32 s1, s6  }
0xa8: {  	s6 =	sshll.u32 @p0 s6, $0xE  }
0xa9: {  	s6 =	sadd.s32 @p0 $0x11B8D, s6;
	s7 =	sshll.u32 @p0 s5, $0x11  }
0xaa: {  	s6 =	sor.u32 @p0 s7, s6  }
0xab: {  	[sflag:s6] =	ssyncadd.remote.s32 @p0 $0x1;
	_ =	sdelay $0x1  }
0xac: {  	s6 =	simm.s32 @p0 $0x1B8D  }
0xad: {  	_ =	swait.eq @p0 [sflag:s6], $0x1  }
0xae: {  	[sflag:s6] =	ssyncadd.s32 @p0 $0xFFFFFFFF  }
0xaf: {  	s7 =	sshll.u32 @!p0 s1, $0xE  }
0xb0: {  	s7 =	sor.u32 @!p0 $0x4000, s7;
	s6 =	simm.s32 @!p0 $0x1B8D  }
0xb1: {  	s5 =	sshll.u32 @!p0 s5, $0x11;
	s7 =	sadd.s32 @!p0 $0x11B8D, s7;
	_ =	swait.eq @!p0 [sflag:s6], $0x1  }
0xb2: {  	s5 =	sor.u32 @!p0 s5, s7;
	[sflag:s6] =	ssyncadd.s32 @!p0 $0xFFFFFFFF  }
0xb3: {  	s25 =	simm.s32 $0x1B8E;
	s24 =	sld [smem:$0x3FFE];
	[sflag:s5] =	ssyncadd.remote.s32 @!p0 $0x1  }
0xb4: {  	s26 =	simm.s32 $execute0_lowered;
	[smem:$0x3FD2] =	sst s25  }
0xb5: {  	s6 =	sshll.u32 s26, $0x1;
	_ =	strace $0x80000049;
	[dreg:$0x1] =	wrdreg $0xFFFFFFFF  }
0xb6: {  	s28 =	simm.s32 $_size_execute0_lowered;
	s4 =	sadd.s32 s4, s6;
	[dreg:$0x0] =	wrdreg $0x0  }
0xb7: {  	s6 =	sshll.u32 s28, $0x1;
	[dreg:$0x2] =	wrdreg s4  }
0xb8: {  	[dreg:$0x3] =	wrdreg s6  }
0xb9: {  	[dreg:$0x4] =	wrdreg $0xC0  }
0xba: {  	_ =	task [dreg:s22], $0x5FFFF  }
0xbb: {  	[dreg:$0x1] =	wrdreg $0xFFFFFFFF  }
0xbc: {  	[dreg:$0x0] =	wrdreg $0x60  }
0xbd: {  	[dreg:$0x2] =	wrdreg s24  }
0xbe: {  	[dreg:$0x3] =	wrdreg s18  }
0xbf: {  	[dreg:$0x4] =	wrdreg $0x48800  }
0xc0: {  	[dreg:$0x5] =	wrdreg $0x9  }
0xc1: {  	_ =	task.clear_ibuf [dreg:s22], $0x6FFFF;
	_ =	strace $0x90000049  }
0xc2: {  	s29 =	simm.s32 $0x9;
	_ =	strace $0x8000004B  }
0xc3: {  	_ =	swait.ge [sflag:s29], $0x1  }
0xc4: {  	[sflag:s29] =	ssyncadd.s32 $0xFFFFFFFF  }
0xc5: {  	_ =	strace $0x9000004B  }
0xc6: {  	_ =	sfence  }
0xc7: {  	s30 =	sld [smem:$0x0];
	_ =	sdelay $0x2  }
0xc8: {  	s31 =	sshll.u32 s1, $0xD;
	s1 =	sshrl.u32 s1, $0x2  }
0xc9: {  	s4 =	sand.u32 $0x4000, s31;
	s1 =	sadd.s32 s1, s30  }
0xca: {  	s0 =	sor.u32 s4, s0;
	s1 =	sshll.u32 s1, $0x11  }
0xcb: {  	s0 =	sor.u32 s1, s0  }
0xcc: {  	s0 =	sadd.s32 $0x8F2B, s0  }
0xcd: {  	[sflag:s0] =	ssyncadd.remote.s32 $0x1  }
0xce: {  	_ =	sfence.sel $0xFFFF  }
0xcf: {  	[dreg:$0x0] =	wrdreg $0xFFFFFFFF;
	(pc) =	sbr.abs _section_cstart, $3  }
0xd0: {  	[dreg:$0x1] =	wrdreg $0xFFFFFFFF  }
0xd1: {  	_ =	task.clear_ibuf [dreg:s22], $0x2FFFF;
	_ =	strace $0x9FFFFFFF  }
0xd2: {  	(tm) =	ssettm $0x7FFFFFFF  }
0xd3: {  	_ =	shalt  }
tec
execute0_lowered:
.L_overlay_start_1:
0x0: {  	(tag) =	ssettag $0x1  }
0x1: {  	s6 =	rddreg [dreg:$0x0]  }
0x2: {  	s1 =	rddreg [dreg:$0x1];
	s4 =	srdreg.scid  }
0x3: {  	s2 =	rddreg [dreg:$0x2];
	s7 =	sand.u32 $0x1, s4  }
0x4: {  	s0 =	rddreg [dreg:$0x3];
	s5 =	smul.u32 $0x4F00, s7  }
0x5: {  	s4 =	stileid.u32;
	s8 =	smul.u32 $0x27800, s7  }
0x6: {  	s3 =	simm.s32 $0x0;
	s13 =	simm.s32 $0x4480;
	s10 =	smul.u32 $0x4F000, s4  }
0x7: {  	s14 =	simm.s32 $0x0;
	[smem:$0x7FF] =	sst s3;
	s29 =	smul.u32 $0x4F0, s4  }
0x8: {  	_ =	strace $0x8000004A;
	s28 =	ssub.s32 $0x2, s7;
	s12 =	smul.u32 $0x2780, s4  }
0x9: {  	s30 =	sshrl.u32 s28, $0x1;
	s9 =	sadd.s32 s5, s6;
	s5 =	sadd.s32 $0x15E00, s6  }
0xa: {  	s11 =	sadd.s32 s8, s6;
	s10 =	sshrl.u32 s10, $0x2;
	s8 =	ssub.s32 s28, s30  }
0xb: {  	s6 =	sadd.s32 s10, s2;
	s9 =	sadd.s32 s29, s9;
	s7 =	smax.u32 s8, $0x1  }
0xc: {  	s31 =	sadd.s32 s12, s11;
	s10 =	simm.s32 $0x4080;
	s11 =	simm.s32 $0x1  }
0xd: {  	s12 =	simm.s32 $0x80;
	s8 =	sadd.s32 $0x2200, s9;
	s9 =	sadd.s32 $0x65000, s31  }
.LBB2_1:
0xe: {  	[tilespmem:s10], [sflag:$0x1] =	stream.linear.gather [hbm4b:s5+s3], $0x400, $0x38;
	[tilespmem:$0x18480] =	vst v63  }
0xf: {  	_ =	swait.ge [sflag:s11], $0x400  }
0x10: {  	[sflag:s11] =	ssyncset.done $0x0  }
0x11: {  	[sflag:s11] =	ssyncadd.s32 $0xFFFFFC00  }
0x12: {  	[tilespmem:s12], [sflag:$0x1] =	stream.linear.gather [hbm4b:s1+s3], $0x4000, $0x38;
	[tilespmem:$0x18480] =	vst v63  }
0x13: {  	_ =	swait.ge [sflag:s11], $0x4000  }
0x14: {  	[sflag:s11] =	ssyncset.done $0x0  }
0x15: {  	s15 =	sadd.s32 $0x0, s6;
	[sflag:s11] =	ssyncadd.s32 $0xFFFFC000  }
0x16: {  	[spmem:s15] =	stream.linear.scatter [tilespmem:s10], [sflag:$0x1], $0x400, $0x38;
	[tilespmem:$0x18480] =	vst v63  }
0x17: {  	s15 =	simm.s32 $0x1000;
	_ =	swait.ge [sflag:s11], $0x400  }
.LBB2_2:
0x18: {  	s16 =	sshra.s32 s15, $0x2;
	[sflag:s11] =	ssyncset.done $0x0;
	p0 =	sne.s32 s15, $0x4E000  }
.Ltmp0:
0x19: {  	s16 =	sadd.s32 s16, s6;
	[sflag:s11] =	ssyncadd.s32 $0xFFFFFC00;
	(pc) =	sbr.rel @p0 .LBB2_2-.Ltmp0, $3  }
0x1a: {  	[spmem:s16] =	stream.linear.scatter [tilespmem:s10], [sflag:$0x1], $0x400, $0x38;
	[tilespmem:$0x18480] =	vst v63  }
0x1b: {  	s15 =	sadd.s32 $0x1000, s15;
	_ =	sdelay $0x1  }
0x1c: {  	_ =	swait.ge [sflag:s11], $0x400  }
0x1d: {  	[sflag:s11] =	ssyncset.done $0x0  }
0x1e: {  	[sflag:s11] =	ssyncadd.s32 $0xFFFFFC00  }
0x1f: {  	s15 =	sadd.s32 $0x0, s8;
	[bflag:$0x0] =	sbarrier.arrive $0xFFFF  }
0x20: {  	[tilespmem:s3], [sflag:$0x1] =	stream.linear.gather [hbm4b:s15+s3], $0x80, $0x38;
	[tilespmem:$0x18480] =	vst v63  }
0x21: {  	_ =	swait.ge [sflag:s11], $0x80  }
0x22: {  	[sflag:s11] =	ssyncset.done $0x0  }
0x23: {  	[sflag:s11] =	ssyncadd.s32 $0xFFFFFF80  }
0x24: {  	[spmem:s2] =	stream.indirect.scatter.add.f32 [tilespmem:s12], [sflag:$0x1], $0x80, s3, s12, $0xb8;
	[tilespmem:$0x18480] =	vst v63  }
0x25: {  	_ =	swait.ge [sflag:s11], $0x4000  }
0x26: {  	s16 =	simm.s32 $0x20;
	s15 =	simm.s32 $0x10;
	[sflag:s11] =	ssyncset.done $0x0  }
.LBB2_4:
0x27: {  	s17 =	sadd.s32 s15, s8  }
0x28: {  	[sflag:s11] =	ssyncadd.s32 $0xFFFFC000;
	s15 =	smov.u32 s16;
	s18 =	sadd.s32 $0x10, s16  }
0x29: {  	[tilespmem:s3], [sflag:$0x1] =	stream.linear.gather [hbm4b:s17+s3], $0x80, $0x38;
	[tilespmem:$0x18480] =	vst v63  }
0x2a: {  	p0 =	sne.s32 s16, $0x4E0;
	_ =	swait.ge [sflag:s11], $0x80  }
.Ltmp1:
0x2b: {  	[sflag:s11] =	ssyncset.done $0x0;
	(pc) =	sbr.rel @p0 .LBB2_4-.Ltmp1, $4  }
0x2c: {  	[sflag:s11] =	ssyncadd.s32 $0xFFFFFF80  }
0x2d: {  	[spmem:s2] =	stream.indirect.scatter.add.f32 [tilespmem:s12], [sflag:$0x1], $0x80, s3, s12, $0xb8;
	[tilespmem:$0x18480] =	vst v63  }
0x2e: {  	_ =	swait.ge [sflag:s11], $0x4000  }
0x2f: {  	s16 =	smov.u32 s18;
	[sflag:s11] =	ssyncset.done $0x0  }
0x30: {  	s15 =	sadd.s32 s15, s8;
	[sflag:s11] =	ssyncadd.s32 $0xFFFFC000  }
0x31: {  	[tilespmem:s3], [sflag:$0x1] =	stream.linear.gather [hbm4b:s15+s3], $0x80, $0x38;
	[tilespmem:$0x18480] =	vst v63  }
0x32: {  	_ =	swait.ge [sflag:s11], $0x80  }
0x33: {  	[sflag:s11] =	ssyncset.done $0x0  }
0x34: {  	[sflag:s11] =	ssyncadd.s32 $0xFFFFFF80  }
0x35: {  	[spmem:s2] =	stream.indirect.scatter.add.f32 [tilespmem:s12], [sflag:$0x1], $0x80, s3, s12, $0xb8;
	[tilespmem:$0x18480] =	vst v63  }
0x36: {  	_ =	swait.ge [sflag:s11], $0x4000  }
0x37: {  	[sflag:s11] =	ssyncset.done $0x0  }
0x38: {  	[sflag:s11] =	ssyncadd.s32 $0xFFFFC000  }
0x39: {  	[bflag:$0x0] =	sbarrier.arrive $0xFFFF  }
0x3a: {  	[tilespmem:s13], [sflag:$0x1] =	stream.linear.gather [spmem:s6], $0x400, $0x38;
	[tilespmem:$0x18480] =	vst v63  }
0x3b: {  	_ =	swait.ge [sflag:s11], $0x400  }
0x3c: {  	[sflag:s11] =	ssyncset.done $0x0  }
0x3d: {  	s31 =	sadd.s32 $0x0, s9;
	[sflag:s11] =	ssyncadd.s32 $0xFFFFFC00  }
0x3e: {  	[hbm4b:s31+s3] =	stream.linear.scatter [tilespmem:s13], [sflag:$0x1], $0x400, $0x38;
	[tilespmem:$0x18480] =	vst v63  }
0x3f: {  	_ =	swait.ge [sflag:s11], $0x400  }
0x40: {  	s16 =	smov.u32 s6;
	s15 =	simm.s32 $0x80;
	[sflag:s11] =	ssyncset.done $0x0  }
.LBB2_6:
0x41: {  	p0 =	sne.s32 s15, $0x2700;
	[sflag:s11] =	ssyncadd.s32 $0xFFFFFC00;
	s16 =	sadd.s32 $0x400, s16  }
0x42: {  	[tilespmem:s13], [sflag:$0x1] =	stream.linear.gather [spmem:s16], $0x400, $0x38;
	[tilespmem:$0x18480] =	vst v63  }
0x43: {  	s17 =	smov.u32 s15;
	s15 =	sadd.s32 $0x80, s15;
	_ =	swait.ge [sflag:s11], $0x400  }
.Ltmp2:
0x44: {  	[sflag:s11] =	ssyncset.done $0x0;
	(pc) =	sbr.rel @p0 .LBB2_6-.Ltmp2, $4  }
0x45: {  	s17 =	sadd.s32 s17, s9;
	[sflag:s11] =	ssyncadd.s32 $0xFFFFFC00  }
0x46: {  	[hbm4b:s17+s3] =	stream.linear.scatter [tilespmem:s13], [sflag:$0x1], $0x400, $0x38;
	[tilespmem:$0x18480] =	vst v63  }
0x47: {  	_ =	swait.ge [sflag:s11], $0x400  }
0x48: {  	[sflag:s11] =	ssyncset.done $0x0  }
0x49: {  	s14 =	sadd.s32 $0x1, s14  }
0x4a: {  	p0 =	sne.s32 s14, s7  }
.Ltmp3:
0x4b: {  	_ = 	snop;
	(pc) =	sbr.rel @p0 .LBB2_1-.Ltmp3, $2  }
0x4c: {  	_ =	sdelay $0x2  }
0x4d: {  	[sflag:s11] =	ssyncadd.s32 $0xFFFFFC00  }
0x4e: {  	_ =	sfence.sel $0x180000  }
0x4f: {  	[bflag:$0x0] =	sbarrier.arrive $0xFFFF  }
0x50: {  	p0 =	sne.s32 s4, $0x0;
	_ =	strace $0x9000004A  }
0x51: {  	s0 =	sadd.s32 @!p0 $0x100000, s0;
	[bflag:$0x2] =	sbarrier.arrive $0xFFFF  }
0x52: {  	[sflag:s0] =	ssyncadd.tile.s32 @!p0 $0x1;
	_ =	shalt  }
.Lfunc_end2:
_tile_overlayer_lowered:
.L_overlay_start_2:
0x53: {  	(tag) =	ssettag $0x2  }
0x54: {  	s0 =	rddreg [dreg:$0x0];
	s2 =	stileid.u32  }
0x55: {  	s1 =	rddreg [dreg:$0x1];
	p0 =	sne.s32 s2, $0x0  }
0x56: {  	s3 =	rddreg [dreg:$0x2];
	[bflag:$0x3] =	sbarrier.arrive $0xFFFF;
	s2 =	simm.s32 @!p0 $0x1C01  }
0x57: {  	[timem:s3], [sflag:s2] =	dma.local @!p0 [hbm:s0], s1  }
0x58: {  	s0 =	simm.s32 @!p0 $0x1  }
0x59: {  	_ =	swait.ge @!p0 [sflag:s0], s1  }
0x5a: {  	s1 =	ssub.s32 @!p0 $0x0, s1;
	[sflag:s0] =	ssyncset.done @!p0 $0x0  }
0x5b: {  	[sflag:s0] =	ssyncadd.s32 @!p0 s1  }
0x5c: {  	[bflag:$0x3] =	sbarrier.arrive $0xFFFF  }
0x5d: {  	_ =	shalt  }

</sc_bundles>
